<compile_context>
chip_gen: v7x
topology: tpu7x:2x2x1
jax: 0.10.2.dev20260603
libtpu: 0.0.44.dev20260713+nightly
codegen_flags: <defaults>
</compile_context>

<pallas_src>
import dataclasses

import jax
import jax.numpy as jnp
from jax import lax
from jax.experimental import pallas as pl
from jax.experimental.pallas import tpu as pltpu
from jax.experimental.pallas import tpu_sc as plsc

_G = 128
_NB = 5
_NW = 32
_L = 16


def kernel(x, I, pe):
    batch, hist = x.shape
    dim = I.shape[1]
    n = batch * hist
    rows_w = n // _NW
    irows_w = rows_w // _G
    idx = x.reshape(n // _G, _G)

    mesh = plsc.VectorSubcoreMesh(core_axis_name="core",
                                  subcore_axis_name="subcore")

    cp = pltpu.CompilerParams()
    if "needs_layout_passes" in pltpu.CompilerParams.__dataclass_fields__:
        cp = dataclasses.replace(cp, needs_layout_passes=False)

    @pl.kernel(out_type=jax.ShapeDtypeStruct((n, dim), I.dtype), mesh=mesh,
               compiler_params=cp,
               scratch_types=[
                   pltpu.VMEM((irows_w, _G), jnp.int32),
                   pltpu.VMEM((_NB, _G, 128), jnp.float32),
                   pltpu.SemaphoreType.DMA((_NB,)),
               ])
    def onehot_kernel(table_hbm, i_hbm, o_hbm, idx_v, bufs, wsems):
        cid = lax.axis_index("core")
        sid = lax.axis_index("subcore")
        wid = sid * 2 + cid
        base = wid * rows_w

        pltpu.sync_copy(i_hbm.at[pl.ds(wid * irows_w, irows_w)], idx_v)

        lanes = lax.iota(jnp.int32, _L)
        ones = jnp.full((_L,), 1.0, jnp.float32)
        zeros = jnp.full((_L,), 0.0, jnp.float32)

        for b in range(_NB):
            @pl.loop(0, _G)
            def _(r):
                for k in range(128 // _L):
                    bufs[b, r, pl.ds(k * _L, _L)] = zeros

        def put(g, b, val):
            for k in range(_G // _L):
                rows = lanes + (k * _L)
                cols = idx_v[g, pl.ds(k * _L, _L)]
                plsc.store_scatter(bufs.at[b], [rows, cols], val)

        @pl.loop(0, irows_w // _NB)
        def _(t):
            for b in range(_NB):
                g = t * _NB + b

                @pl.when(t > 0)
                def _():
                    pltpu.make_async_copy(
                        bufs.at[b], o_hbm.at[pl.ds(base, _G)], wsems.at[b]
                    ).wait()
                    put(g - _NB, b, zeros)

                put(g, b, ones)
                pltpu.async_copy(
                    bufs.at[b], o_hbm.at[pl.ds(base + g * _G, _G)],
                    wsems.at[b],
                )

        for b in range(_NB):
            pltpu.make_async_copy(
                bufs.at[b], o_hbm.at[pl.ds(base, _G)], wsems.at[b]
            ).wait()

    out = onehot_kernel(I, idx)
    return out.reshape(batch, hist, dim)

# --- scband reference (transcript-rebuilt; emitter-appended) ---
"""Pipeline reference for scband-positional-encoding-2989297238347 (READ-ONLY COPY).

The authoritative reference and input builder live on the scoring server;
editing this copy changes nothing except your own understanding.
"""

import jax, jax.numpy as jnp
import numpy as np
import math


def setup_inputs(seed: int = 0) -> dict:
    key = jax.random.key(seed)
    dim = 128
    batch, hist = 4096, 200
    x = jax.random.randint(key, (batch, hist), 0, dim, dtype=jnp.int32)
    # Buffers built exactly as in __init__ (dim=128, mode='onehot')
    max_len = 2 * dim
    position = jnp.arange(max_len, dtype=jnp.float32)[:, None]
    div_term = jnp.exp(jnp.arange(0, dim, 2, dtype=jnp.float32) * (-math.log(10000.0) / dim))
    pe = jnp.zeros((max_len, dim), dtype=jnp.float32)
    pe = pe.at[:, 0::2].set(jnp.sin(position * div_term))
    pe = pe.at[:, 1::2].set(jnp.cos(position * div_term))
    I = jnp.eye(dim, dtype=jnp.float32)
    return {"x": x, "I": I, "pe": pe}


def reference(x, I, pe):
    # mode == 'onehot': index_select rows of the identity matrix
    dim = I.shape[0]
    out_shape = list(x.shape) + [dim]
    out = jnp.take(I, x.reshape(-1), axis=0).reshape(out_shape)
    return out

if __name__ == "__main__":
    import jax
    _d = setup_inputs()
    print(jax.jit(kernel)(*tuple(_d.values())))

</pallas_src>

<mosaic_0001>
#map = affine_map<(d0, d1) -> (0, 0)>
module attributes {stable_mosaic.version = 14 : i64} {
  func.func @onehot_kernel(%arg0: i32, %arg1: i32, %arg2: memref<128x128xf32, #tpu.memory_space<hbm>>, %arg3: memref<6400x128xi32, #tpu.memory_space<hbm>>, %arg4: memref<819200x128xf32, #tpu.memory_space<hbm>>, %arg5: memref<200x128xi32, #tpu.memory_space<vmem>>, %arg6: memref<5x128x128xf32, #tpu.memory_space<vmem>>, %arg7: memref<5x!tpu.dma_semaphore, #tpu.memory_space<semaphore_mem>>) attributes {dimension_semantics = [#tpu.dimension_semantics<core_parallel>, #tpu.dimension_semantics<subcore_parallel>], iteration_bounds = array<i64: 2, 16>, scalar_prefetch = 0 : i64, scratch_operands = 3 : i64, tpu.core_type = #tpu.core_type<sc_vector_subcore>, window_params = [{transform_indices = #map}, {transform_indices = #map}, {transform_indices = #map}]} {
    %mul3A = arith.constant 2 : i32
    %mul3A_0 = arith.muli %arg1, %mul3A : i32
    %add3A = arith.addi %mul3A_0, %arg0 : i32
    %mul3A_1 = arith.constant 25600 : i32
    %mul3A_2 = arith.muli %add3A, %mul3A_1 : i32
    %mul3A_3 = arith.constant 200 : i32
    %mul3A_4 = arith.muli %add3A, %mul3A_3 : i32
    "tpu.region"() ({
      %run_scoped3A = tpu.sem_alloc : memref<!tpu.dma_semaphore, #tpu.memory_space<semaphore_mem>>
      %dma_start3A = arith.constant 0 : i32
      %dma_start3A_116 = tpu.memref_slice %arg3[%mul3A_4, %dma_start3A] : memref<6400x128xi32, #tpu.memory_space<hbm>> -> memref<200x128xi32, #tpu.memory_space<hbm>>
      %dma_start3A_117 = arith.constant 0 : i32
      %dma_start3A_118 = tpu.memref_slice %arg3[%mul3A_4, %dma_start3A_117] : memref<6400x128xi32, #tpu.memory_space<hbm>> -> memref<200x128xi32, #tpu.memory_space<hbm>>
      tpu.enqueue_dma source(%dma_start3A_118 : memref<200x128xi32, #tpu.memory_space<hbm>>) target(%arg5 : memref<200x128xi32, #tpu.memory_space<vmem>>) target_semaphore(%run_scoped3A : memref<!tpu.dma_semaphore, #tpu.memory_space<semaphore_mem>>)
      %dma_wait3A_119 = arith.constant 0 : i32
      %dma_wait3A_120 = tpu.memref_slice %arg3[%mul3A_4, %dma_wait3A_119] : memref<6400x128xi32, #tpu.memory_space<hbm>> -> memref<200x128xi32, #tpu.memory_space<hbm>>
      %dma_wait3A_121 = arith.constant 0 : i32
      %dma_wait3A_122 = tpu.memref_slice %arg3[%mul3A_4, %dma_wait3A_121] : memref<6400x128xi32, #tpu.memory_space<hbm>> -> memref<200x128xi32, #tpu.memory_space<hbm>>
      tpu.wait_dma2 semaphore(%run_scoped3A : memref<!tpu.dma_semaphore, #tpu.memory_space<semaphore_mem>>) src(%dma_wait3A_122 : memref<200x128xi32, #tpu.memory_space<hbm>>) dst(%arg5 : memref<200x128xi32, #tpu.memory_space<vmem>>)
      tpu.yield
    }) : () -> ()
    %iota3A = tpu.iota {dimensions = array<i32: 0>} : vector<16xi32>
    %broadcast_in_dim3A = arith.constant 1.000000e+00 : f32
    %broadcast_in_dim3A_5 = vector.broadcast %broadcast_in_dim3A : f32 to vector<16xf32>
    %broadcast_in_dim3A_6 = arith.constant 0.000000e+00 : f32
    %broadcast_in_dim3A_7 = vector.broadcast %broadcast_in_dim3A_6 : f32 to vector<16xf32>
    %scan3A = arith.constant 0 : i32
    %scan3A_8 = arith.constant 128 : i32
    %scan3A_9 = arith.addi %scan3A, %scan3A_8 : i32
    %scan3A_10 = arith.constant 1 : i32
    scf.for %scan3A_116 = %scan3A to %scan3A_9 step %scan3A_10  : i32 {
      %mul3A_117 = arith.constant 1 : i32
      %mul3A_118 = arith.muli %scan3A_116, %mul3A_117 : i32
      %add3A_119 = arith.constant 0 : i32
      %add3A_120 = arith.addi %add3A_119, %mul3A_118 : i32
      %swap3A = arith.constant 0 : i32
      %swap3A_121 = arith.index_cast %swap3A : i32 to index
      %swap3A_122 = arith.index_cast %add3A_120 : i32 to index
      %swap3A_123 = arith.constant 0 : index
      %swap3A_124 = tpu.vector_load %arg6[%swap3A_121, %swap3A_122, %swap3A_123] {strides = array<i32>} : memref<5x128x128xf32, #tpu.memory_space<vmem>>, vector<16xf32>,
      tpu.vector_store %arg6[%swap3A_121, %swap3A_122, %swap3A_123], %broadcast_in_dim3A_7 {strides = array<i32>} : memref<5x128x128xf32, #tpu.memory_space<vmem>>, vector<16xf32>,
      %swap3A_125 = arith.constant 0 : i32
      %swap3A_126 = arith.index_cast %swap3A_125 : i32 to index
      %swap3A_127 = arith.index_cast %add3A_120 : i32 to index
      %swap3A_128 = arith.constant 16 : index
      %swap3A_129 = tpu.vector_load %arg6[%swap3A_126, %swap3A_127, %swap3A_128] {strides = array<i32>} : memref<5x128x128xf32, #tpu.memory_space<vmem>>, vector<16xf32>,
      tpu.vector_store %arg6[%swap3A_126, %swap3A_127, %swap3A_128], %broadcast_in_dim3A_7 {strides = array<i32>} : memref<5x128x128xf32, #tpu.memory_space<vmem>>, vector<16xf32>,
      %swap3A_130 = arith.constant 0 : i32
      %swap3A_131 = arith.index_cast %swap3A_130 : i32 to index
      %swap3A_132 = arith.index_cast %add3A_120 : i32 to index
      %swap3A_133 = arith.constant 32 : index
      %swap3A_134 = tpu.vector_load %arg6[%swap3A_131, %swap3A_132, %swap3A_133] {strides = array<i32>} : memref<5x128x128xf32, #tpu.memory_space<vmem>>, vector<16xf32>,
      tpu.vector_store %arg6[%swap3A_131, %swap3A_132, %swap3A_133], %broadcast_in_dim3A_7 {strides = array<i32>} : memref<5x128x128xf32, #tpu.memory_space<vmem>>, vector<16xf32>,
      %swap3A_135 = arith.constant 0 : i32
      %swap3A_136 = arith.index_cast %swap3A_135 : i32 to index
      %swap3A_137 = arith.index_cast %add3A_120 : i32 to index
      %swap3A_138 = arith.constant 48 : index
      %swap3A_139 = tpu.vector_load %arg6[%swap3A_136, %swap3A_137, %swap3A_138] {strides = array<i32>} : memref<5x128x128xf32, #tpu.memory_space<vmem>>, vector<16xf32>,
      tpu.vector_store %arg6[%swap3A_136, %swap3A_137, %swap3A_138], %broadcast_in_dim3A_7 {strides = array<i32>} : memref<5x128x128xf32, #tpu.memory_space<vmem>>, vector<16xf32>,
      %swap3A_140 = arith.constant 0 : i32
      %swap3A_141 = arith.index_cast %swap3A_140 : i32 to index
      %swap3A_142 = arith.index_cast %add3A_120 : i32 to index
      %swap3A_143 = arith.constant 64 : index
      %swap3A_144 = tpu.vector_load %arg6[%swap3A_141, %swap3A_142, %swap3A_143] {strides = array<i32>} : memref<5x128x128xf32, #tpu.memory_space<vmem>>, vector<16xf32>,
      tpu.vector_store %arg6[%swap3A_141, %swap3A_142, %swap3A_143], %broadcast_in_dim3A_7 {strides = array<i32>} : memref<5x128x128xf32, #tpu.memory_space<vmem>>, vector<16xf32>,
      %swap3A_145 = arith.constant 0 : i32
      %swap3A_146 = arith.index_cast %swap3A_145 : i32 to index
      %swap3A_147 = arith.index_cast %add3A_120 : i32 to index
      %swap3A_148 = arith.constant 80 : index
      %swap3A_149 = tpu.vector_load %arg6[%swap3A_146, %swap3A_147, %swap3A_148] {strides = array<i32>} : memref<5x128x128xf32, #tpu.memory_space<vmem>>, vector<16xf32>,
      tpu.vector_store %arg6[%swap3A_146, %swap3A_147, %swap3A_148], %broadcast_in_dim3A_7 {strides = array<i32>} : memref<5x128x128xf32, #tpu.memory_space<vmem>>, vector<16xf32>,
      %swap3A_150 = arith.constant 0 : i32
      %swap3A_151 = arith.index_cast %swap3A_150 : i32 to index
      %swap3A_152 = arith.index_cast %add3A_120 : i32 to index
      %swap3A_153 = arith.constant 96 : index
      %swap3A_154 = tpu.vector_load %arg6[%swap3A_151, %swap3A_152, %swap3A_153] {strides = array<i32>} : memref<5x128x128xf32, #tpu.memory_space<vmem>>, vector<16xf32>,
      tpu.vector_store %arg6[%swap3A_151, %swap3A_152, %swap3A_153], %broadcast_in_dim3A_7 {strides = array<i32>} : memref<5x128x128xf32, #tpu.memory_space<vmem>>, vector<16xf32>,
      %swap3A_155 = arith.constant 0 : i32
      %swap3A_156 = arith.index_cast %swap3A_155 : i32 to index
      %swap3A_157 = arith.index_cast %add3A_120 : i32 to index
      %swap3A_158 = arith.constant 112 : index
      %swap3A_159 = tpu.vector_load %arg6[%swap3A_156, %swap3A_157, %swap3A_158] {strides = array<i32>} : memref<5x128x128xf32, #tpu.memory_space<vmem>>, vector<16xf32>,
      tpu.vector_store %arg6[%swap3A_156, %swap3A_157, %swap3A_158], %broadcast_in_dim3A_7 {strides = array<i32>} : memref<5x128x128xf32, #tpu.memory_space<vmem>>, vector<16xf32>,
    }
    %scan3A_11 = arith.constant 128 : i32
    %scan3A_12 = arith.constant 0 : i32
    %scan3A_13 = arith.constant 128 : i32
    %scan3A_14 = arith.addi %scan3A_12, %scan3A_13 : i32
    %scan3A_15 = arith.constant 1 : i32
    scf.for %scan3A_116 = %scan3A_12 to %scan3A_14 step %scan3A_15  : i32 {
      %mul3A_117 = arith.constant 1 : i32
      %mul3A_118 = arith.muli %scan3A_116, %mul3A_117 : i32
      %add3A_119 = arith.constant 0 : i32
      %add3A_120 = arith.addi %add3A_119, %mul3A_118 : i32
      %swap3A = arith.constant 1 : i32
      %swap3A_121 = arith.index_cast %swap3A : i32 to index
      %swap3A_122 = arith.index_cast %add3A_120 : i32 to index
      %swap3A_123 = arith.constant 0 : index
      %swap3A_124 = tpu.vector_load %arg6[%swap3A_121, %swap3A_122, %swap3A_123] {strides = array<i32>} : memref<5x128x128xf32, #tpu.memory_space<vmem>>, vector<16xf32>,
      tpu.vector_store %arg6[%swap3A_121, %swap3A_122, %swap3A_123], %broadcast_in_dim3A_7 {strides = array<i32>} : memref<5x128x128xf32, #tpu.memory_space<vmem>>, vector<16xf32>,
      %swap3A_125 = arith.constant 1 : i32
      %swap3A_126 = arith.index_cast %swap3A_125 : i32 to index
      %swap3A_127 = arith.index_cast %add3A_120 : i32 to index
      %swap3A_128 = arith.constant 16 : index
      %swap3A_129 = tpu.vector_load %arg6[%swap3A_126, %swap3A_127, %swap3A_128] {strides = array<i32>} : memref<5x128x128xf32, #tpu.memory_space<vmem>>, vector<16xf32>,
      tpu.vector_store %arg6[%swap3A_126, %swap3A_127, %swap3A_128], %broadcast_in_dim3A_7 {strides = array<i32>} : memref<5x128x128xf32, #tpu.memory_space<vmem>>, vector<16xf32>,
      %swap3A_130 = arith.constant 1 : i32
      %swap3A_131 = arith.index_cast %swap3A_130 : i32 to index
      %swap3A_132 = arith.index_cast %add3A_120 : i32 to index
      %swap3A_133 = arith.constant 32 : index
      %swap3A_134 = tpu.vector_load %arg6[%swap3A_131, %swap3A_132, %swap3A_133] {strides = array<i32>} : memref<5x128x128xf32, #tpu.memory_space<vmem>>, vector<16xf32>,
      tpu.vector_store %arg6[%swap3A_131, %swap3A_132, %swap3A_133], %broadcast_in_dim3A_7 {strides = array<i32>} : memref<5x128x128xf32, #tpu.memory_space<vmem>>, vector<16xf32>,
      %swap3A_135 = arith.constant 1 : i32
      %swap3A_136 = arith.index_cast %swap3A_135 : i32 to index
      %swap3A_137 = arith.index_cast %add3A_120 : i32 to index
      %swap3A_138 = arith.constant 48 : index
      %swap3A_139 = tpu.vector_load %arg6[%swap3A_136, %swap3A_137, %swap3A_138] {strides = array<i32>} : memref<5x128x128xf32, #tpu.memory_space<vmem>>, vector<16xf32>,
      tpu.vector_store %arg6[%swap3A_136, %swap3A_137, %swap3A_138], %broadcast_in_dim3A_7 {strides = array<i32>} : memref<5x128x128xf32, #tpu.memory_space<vmem>>, vector<16xf32>,
      %swap3A_140 = arith.constant 1 : i32
      %swap3A_141 = arith.index_cast %swap3A_140 : i32 to index
      %swap3A_142 = arith.index_cast %add3A_120 : i32 to index
      %swap3A_143 = arith.constant 64 : index
      %swap3A_144 = tpu.vector_load %arg6[%swap3A_141, %swap3A_142, %swap3A_143] {strides = array<i32>} : memref<5x128x128xf32, #tpu.memory_space<vmem>>, vector<16xf32>,
      tpu.vector_store %arg6[%swap3A_141, %swap3A_142, %swap3A_143], %broadcast_in_dim3A_7 {strides = array<i32>} : memref<5x128x128xf32, #tpu.memory_space<vmem>>, vector<16xf32>,
      %swap3A_145 = arith.constant 1 : i32
      %swap3A_146 = arith.index_cast %swap3A_145 : i32 to index
      %swap3A_147 = arith.index_cast %add3A_120 : i32 to index
      %swap3A_148 = arith.constant 80 : index
      %swap3A_149 = tpu.vector_load %arg6[%swap3A_146, %swap3A_147, %swap3A_148] {strides = array<i32>} : memref<5x128x128xf32, #tpu.memory_space<vmem>>, vector<16xf32>,
      tpu.vector_store %arg6[%swap3A_146, %swap3A_147, %swap3A_148], %broadcast_in_dim3A_7 {strides = array<i32>} : memref<5x128x128xf32, #tpu.memory_space<vmem>>, vector<16xf32>,
      %swap3A_150 = arith.constant 1 : i32
      %swap3A_151 = arith.index_cast %swap3A_150 : i32 to index
      %swap3A_152 = arith.index_cast %add3A_120 : i32 to index
      %swap3A_153 = arith.constant 96 : index
      %swap3A_154 = tpu.vector_load %arg6[%swap3A_151, %swap3A_152, %swap3A_153] {strides = array<i32>} : memref<5x128x128xf32, #tpu.memory_space<vmem>>, vector<16xf32>,
      tpu.vector_store %arg6[%swap3A_151, %swap3A_152, %swap3A_153], %broadcast_in_dim3A_7 {strides = array<i32>} : memref<5x128x128xf32, #tpu.memory_space<vmem>>, vector<16xf32>,
      %swap3A_155 = arith.constant 1 : i32
      %swap3A_156 = arith.index_cast %swap3A_155 : i32 to index
      %swap3A_157 = arith.index_cast %add3A_120 : i32 to index
      %swap3A_158 = arith.constant 112 : index
      %swap3A_159 = tpu.vector_load %arg6[%swap3A_156, %swap3A_157, %swap3A_158] {strides = array<i32>} : memref<5x128x128xf32, #tpu.memory_space<vmem>>, vector<16xf32>,
      tpu.vector_store %arg6[%swap3A_156, %swap3A_157, %swap3A_158], %broadcast_in_dim3A_7 {strides = array<i32>} : memref<5x128x128xf32, #tpu.memory_space<vmem>>, vector<16xf32>,
    }
    %scan3A_16 = arith.constant 128 : i32
    %scan3A_17 = arith.constant 0 : i32
    %scan3A_18 = arith.constant 128 : i32
    %scan3A_19 = arith.addi %scan3A_17, %scan3A_18 : i32
    %scan3A_20 = arith.constant 1 : i32
    scf.for %scan3A_116 = %scan3A_17 to %scan3A_19 step %scan3A_20  : i32 {
      %mul3A_117 = arith.constant 1 : i32
      %mul3A_118 = arith.muli %scan3A_116, %mul3A_117 : i32
      %add3A_119 = arith.constant 0 : i32
      %add3A_120 = arith.addi %add3A_119, %mul3A_118 : i32
      %swap3A = arith.constant 2 : i32
      %swap3A_121 = arith.index_cast %swap3A : i32 to index
      %swap3A_122 = arith.index_cast %add3A_120 : i32 to index
      %swap3A_123 = arith.constant 0 : index
      %swap3A_124 = tpu.vector_load %arg6[%swap3A_121, %swap3A_122, %swap3A_123] {strides = array<i32>} : memref<5x128x128xf32, #tpu.memory_space<vmem>>, vector<16xf32>,
      tpu.vector_store %arg6[%swap3A_121, %swap3A_122, %swap3A_123], %broadcast_in_dim3A_7 {strides = array<i32>} : memref<5x128x128xf32, #tpu.memory_space<vmem>>, vector<16xf32>,
      %swap3A_125 = arith.constant 2 : i32
      %swap3A_126 = arith.index_cast %swap3A_125 : i32 to index
      %swap3A_127 = arith.index_cast %add3A_120 : i32 to index
      %swap3A_128 = arith.constant 16 : index
      %swap3A_129 = tpu.vector_load %arg6[%swap3A_126, %swap3A_127, %swap3A_128] {strides = array<i32>} : memref<5x128x128xf32, #tpu.memory_space<vmem>>, vector<16xf32>,
      tpu.vector_store %arg6[%swap3A_126, %swap3A_127, %swap3A_128], %broadcast_in_dim3A_7 {strides = array<i32>} : memref<5x128x128xf32, #tpu.memory_space<vmem>>, vector<16xf32>,
      %swap3A_130 = arith.constant 2 : i32
      %swap3A_131 = arith.index_cast %swap3A_130 : i32 to index
      %swap3A_132 = arith.index_cast %add3A_120 : i32 to index
      %swap3A_133 = arith.constant 32 : index
      %swap3A_134 = tpu.vector_load %arg6[%swap3A_131, %swap3A_132, %swap3A_133] {strides = array<i32>} : memref<5x128x128xf32, #tpu.memory_space<vmem>>, vector<16xf32>,
      tpu.vector_store %arg6[%swap3A_131, %swap3A_132, %swap3A_133], %broadcast_in_dim3A_7 {strides = array<i32>} : memref<5x128x128xf32, #tpu.memory_space<vmem>>, vector<16xf32>,
      %swap3A_135 = arith.constant 2 : i32
      %swap3A_136 = arith.index_cast %swap3A_135 : i32 to index
      %swap3A_137 = arith.index_cast %add3A_120 : i32 to index
      %swap3A_138 = arith.constant 48 : index
      %swap3A_139 = tpu.vector_load %arg6[%swap3A_136, %swap3A_137, %swap3A_138] {strides = array<i32>} : memref<5x128x128xf32, #tpu.memory_space<vmem>>, vector<16xf32>,
      tpu.vector_store %arg6[%swap3A_136, %swap3A_137, %swap3A_138], %broadcast_in_dim3A_7 {strides = array<i32>} : memref<5x128x128xf32, #tpu.memory_space<vmem>>, vector<16xf32>,
      %swap3A_140 = arith.constant 2 : i32
      %swap3A_141 = arith.index_cast %swap3A_140 : i32 to index
      %swap3A_142 = arith.index_cast %add3A_120 : i32 to index
      %swap3A_143 = arith.constant 64 : index
      %swap3A_144 = tpu.vector_load %arg6[%swap3A_141, %swap3A_142, %swap3A_143] {strides = array<i32>} : memref<5x128x128xf32, #tpu.memory_space<vmem>>, vector<16xf32>,
      tpu.vector_store %arg6[%swap3A_141, %swap3A_142, %swap3A_143], %broadcast_in_dim3A_7 {strides = array<i32>} : memref<5x128x128xf32, #tpu.memory_space<vmem>>, vector<16xf32>,
      %swap3A_145 = arith.constant 2 : i32
      %swap3A_146 = arith.index_cast %swap3A_145 : i32 to index
      %swap3A_147 = arith.index_cast %add3A_120 : i32 to index
      %swap3A_148 = arith.constant 80 : index
      %swap3A_149 = tpu.vector_load %arg6[%swap3A_146, %swap3A_147, %swap3A_148] {strides = array<i32>} : memref<5x128x128xf32, #tpu.memory_space<vmem>>, vector<16xf32>,
      tpu.vector_store %arg6[%swap3A_146, %swap3A_147, %swap3A_148], %broadcast_in_dim3A_7 {strides = array<i32>} : memref<5x128x128xf32, #tpu.memory_space<vmem>>, vector<16xf32>,
      %swap3A_150 = arith.constant 2 : i32
      %swap3A_151 = arith.index_cast %swap3A_150 : i32 to index
      %swap3A_152 = arith.index_cast %add3A_120 : i32 to index
      %swap3A_153 = arith.constant 96 : index
      %swap3A_154 = tpu.vector_load %arg6[%swap3A_151, %swap3A_152, %swap3A_153] {strides = array<i32>} : memref<5x128x128xf32, #tpu.memory_space<vmem>>, vector<16xf32>,
      tpu.vector_store %arg6[%swap3A_151, %swap3A_152, %swap3A_153], %broadcast_in_dim3A_7 {strides = array<i32>} : memref<5x128x128xf32, #tpu.memory_space<vmem>>, vector<16xf32>,
      %swap3A_155 = arith.constant 2 : i32
      %swap3A_156 = arith.index_cast %swap3A_155 : i32 to index
      %swap3A_157 = arith.index_cast %add3A_120 : i32 to index
      %swap3A_158 = arith.constant 112 : index
      %swap3A_159 = tpu.vector_load %arg6[%swap3A_156, %swap3A_157, %swap3A_158] {strides = array<i32>} : memref<5x128x128xf32, #tpu.memory_space<vmem>>, vector<16xf32>,
      tpu.vector_store %arg6[%swap3A_156, %swap3A_157, %swap3A_158], %broadcast_in_dim3A_7 {strides = array<i32>} : memref<5x128x128xf32, #tpu.memory_space<vmem>>, vector<16xf32>,
    }
    %scan3A_21 = arith.constant 128 : i32
    %scan3A_22 = arith.constant 0 : i32
    %scan3A_23 = arith.constant 128 : i32
    %scan3A_24 = arith.addi %scan3A_22, %scan3A_23 : i32
    %scan3A_25 = arith.constant 1 : i32
    scf.for %scan3A_116 = %scan3A_22 to %scan3A_24 step %scan3A_25  : i32 {
      %mul3A_117 = arith.constant 1 : i32
      %mul3A_118 = arith.muli %scan3A_116, %mul3A_117 : i32
      %add3A_119 = arith.constant 0 : i32
      %add3A_120 = arith.addi %add3A_119, %mul3A_118 : i32
      %swap3A = arith.constant 3 : i32
      %swap3A_121 = arith.index_cast %swap3A : i32 to index
      %swap3A_122 = arith.index_cast %add3A_120 : i32 to index
      %swap3A_123 = arith.constant 0 : index
      %swap3A_124 = tpu.vector_load %arg6[%swap3A_121, %swap3A_122, %swap3A_123] {strides = array<i32>} : memref<5x128x128xf32, #tpu.memory_space<vmem>>, vector<16xf32>,
      tpu.vector_store %arg6[%swap3A_121, %swap3A_122, %swap3A_123], %broadcast_in_dim3A_7 {strides = array<i32>} : memref<5x128x128xf32, #tpu.memory_space<vmem>>, vector<16xf32>,
      %swap3A_125 = arith.constant 3 : i32
      %swap3A_126 = arith.index_cast %swap3A_125 : i32 to index
      %swap3A_127 = arith.index_cast %add3A_120 : i32 to index
      %swap3A_128 = arith.constant 16 : index
      %swap3A_129 = tpu.vector_load %arg6[%swap3A_126, %swap3A_127, %swap3A_128] {strides = array<i32>} : memref<5x128x128xf32, #tpu.memory_space<vmem>>, vector<16xf32>,
      tpu.vector_store %arg6[%swap3A_126, %swap3A_127, %swap3A_128], %broadcast_in_dim3A_7 {strides = array<i32>} : memref<5x128x128xf32, #tpu.memory_space<vmem>>, vector<16xf32>,
      %swap3A_130 = arith.constant 3 : i32
      %swap3A_131 = arith.index_cast %swap3A_130 : i32 to index
      %swap3A_132 = arith.index_cast %add3A_120 : i32 to index
      %swap3A_133 = arith.constant 32 : index
      %swap3A_134 = tpu.vector_load %arg6[%swap3A_131, %swap3A_132, %swap3A_133] {strides = array<i32>} : memref<5x128x128xf32, #tpu.memory_space<vmem>>, vector<16xf32>,
      tpu.vector_store %arg6[%swap3A_131, %swap3A_132, %swap3A_133], %broadcast_in_dim3A_7 {strides = array<i32>} : memref<5x128x128xf32, #tpu.memory_space<vmem>>, vector<16xf32>,
      %swap3A_135 = arith.constant 3 : i32
      %swap3A_136 = arith.index_cast %swap3A_135 : i32 to index
      %swap3A_137 = arith.index_cast %add3A_120 : i32 to index
      %swap3A_138 = arith.constant 48 : index
      %swap3A_139 = tpu.vector_load %arg6[%swap3A_136, %swap3A_137, %swap3A_138] {strides = array<i32>} : memref<5x128x128xf32, #tpu.memory_space<vmem>>, vector<16xf32>,
      tpu.vector_store %arg6[%swap3A_136, %swap3A_137, %swap3A_138], %broadcast_in_dim3A_7 {strides = array<i32>} : memref<5x128x128xf32, #tpu.memory_space<vmem>>, vector<16xf32>,
      %swap3A_140 = arith.constant 3 : i32
      %swap3A_141 = arith.index_cast %swap3A_140 : i32 to index
      %swap3A_142 = arith.index_cast %add3A_120 : i32 to index
      %swap3A_143 = arith.constant 64 : index
      %swap3A_144 = tpu.vector_load %arg6[%swap3A_141, %swap3A_142, %swap3A_143] {strides = array<i32>} : memref<5x128x128xf32, #tpu.memory_space<vmem>>, vector<16xf32>,
      tpu.vector_store %arg6[%swap3A_141, %swap3A_142, %swap3A_143], %broadcast_in_dim3A_7 {strides = array<i32>} : memref<5x128x128xf32, #tpu.memory_space<vmem>>, vector<16xf32>,
      %swap3A_145 = arith.constant 3 : i32
      %swap3A_146 = arith.index_cast %swap3A_145 : i32 to index
      %swap3A_147 = arith.index_cast %add3A_120 : i32 to index
      %swap3A_148 = arith.constant 80 : index
      %swap3A_149 = tpu.vector_load %arg6[%swap3A_146, %swap3A_147, %swap3A_148] {strides = array<i32>} : memref<5x128x128xf32, #tpu.memory_space<vmem>>, vector<16xf32>,
      tpu.vector_store %arg6[%swap3A_146, %swap3A_147, %swap3A_148], %broadcast_in_dim3A_7 {strides = array<i32>} : memref<5x128x128xf32, #tpu.memory_space<vmem>>, vector<16xf32>,
      %swap3A_150 = arith.constant 3 : i32
      %swap3A_151 = arith.index_cast %swap3A_150 : i32 to index
      %swap3A_152 = arith.index_cast %add3A_120 : i32 to index
      %swap3A_153 = arith.constant 96 : index
      %swap3A_154 = tpu.vector_load %arg6[%swap3A_151, %swap3A_152, %swap3A_153] {strides = array<i32>} : memref<5x128x128xf32, #tpu.memory_space<vmem>>, vector<16xf32>,
      tpu.vector_store %arg6[%swap3A_151, %swap3A_152, %swap3A_153], %broadcast_in_dim3A_7 {strides = array<i32>} : memref<5x128x128xf32, #tpu.memory_space<vmem>>, vector<16xf32>,
      %swap3A_155 = arith.constant 3 : i32
      %swap3A_156 = arith.index_cast %swap3A_155 : i32 to index
      %swap3A_157 = arith.index_cast %add3A_120 : i32 to index
      %swap3A_158 = arith.constant 112 : index
      %swap3A_159 = tpu.vector_load %arg6[%swap3A_156, %swap3A_157, %swap3A_158] {strides = array<i32>} : memref<5x128x128xf32, #tpu.memory_space<vmem>>, vector<16xf32>,
      tpu.vector_store %arg6[%swap3A_156, %swap3A_157, %swap3A_158], %broadcast_in_dim3A_7 {strides = array<i32>} : memref<5x128x128xf32, #tpu.memory_space<vmem>>, vector<16xf32>,
    }
    %scan3A_26 = arith.constant 128 : i32
    %scan3A_27 = arith.constant 0 : i32
    %scan3A_28 = arith.constant 128 : i32
    %scan3A_29 = arith.addi %scan3A_27, %scan3A_28 : i32
    %scan3A_30 = arith.constant 1 : i32
    scf.for %scan3A_116 = %scan3A_27 to %scan3A_29 step %scan3A_30  : i32 {
      %mul3A_117 = arith.constant 1 : i32
      %mul3A_118 = arith.muli %scan3A_116, %mul3A_117 : i32
      %add3A_119 = arith.constant 0 : i32
      %add3A_120 = arith.addi %add3A_119, %mul3A_118 : i32
      %swap3A = arith.constant 4 : i32
      %swap3A_121 = arith.index_cast %swap3A : i32 to index
      %swap3A_122 = arith.index_cast %add3A_120 : i32 to index
      %swap3A_123 = arith.constant 0 : index
      %swap3A_124 = tpu.vector_load %arg6[%swap3A_121, %swap3A_122, %swap3A_123] {strides = array<i32>} : memref<5x128x128xf32, #tpu.memory_space<vmem>>, vector<16xf32>,
      tpu.vector_store %arg6[%swap3A_121, %swap3A_122, %swap3A_123], %broadcast_in_dim3A_7 {strides = array<i32>} : memref<5x128x128xf32, #tpu.memory_space<vmem>>, vector<16xf32>,
      %swap3A_125 = arith.constant 4 : i32
      %swap3A_126 = arith.index_cast %swap3A_125 : i32 to index
      %swap3A_127 = arith.index_cast %add3A_120 : i32 to index
      %swap3A_128 = arith.constant 16 : index
      %swap3A_129 = tpu.vector_load %arg6[%swap3A_126, %swap3A_127, %swap3A_128] {strides = array<i32>} : memref<5x128x128xf32, #tpu.memory_space<vmem>>, vector<16xf32>,
      tpu.vector_store %arg6[%swap3A_126, %swap3A_127, %swap3A_128], %broadcast_in_dim3A_7 {strides = array<i32>} : memref<5x128x128xf32, #tpu.memory_space<vmem>>, vector<16xf32>,
      %swap3A_130 = arith.constant 4 : i32
      %swap3A_131 = arith.index_cast %swap3A_130 : i32 to index
      %swap3A_132 = arith.index_cast %add3A_120 : i32 to index
      %swap3A_133 = arith.constant 32 : index
      %swap3A_134 = tpu.vector_load %arg6[%swap3A_131, %swap3A_132, %swap3A_133] {strides = array<i32>} : memref<5x128x128xf32, #tpu.memory_space<vmem>>, vector<16xf32>,
      tpu.vector_store %arg6[%swap3A_131, %swap3A_132, %swap3A_133], %broadcast_in_dim3A_7 {strides = array<i32>} : memref<5x128x128xf32, #tpu.memory_space<vmem>>, vector<16xf32>,
      %swap3A_135 = arith.constant 4 : i32
      %swap3A_136 = arith.index_cast %swap3A_135 : i32 to index
      %swap3A_137 = arith.index_cast %add3A_120 : i32 to index
      %swap3A_138 = arith.constant 48 : index
      %swap3A_139 = tpu.vector_load %arg6[%swap3A_136, %swap3A_137, %swap3A_138] {strides = array<i32>} : memref<5x128x128xf32, #tpu.memory_space<vmem>>, vector<16xf32>,
      tpu.vector_store %arg6[%swap3A_136, %swap3A_137, %swap3A_138], %broadcast_in_dim3A_7 {strides = array<i32>} : memref<5x128x128xf32, #tpu.memory_space<vmem>>, vector<16xf32>,
      %swap3A_140 = arith.constant 4 : i32
      %swap3A_141 = arith.index_cast %swap3A_140 : i32 to index
      %swap3A_142 = arith.index_cast %add3A_120 : i32 to index
      %swap3A_143 = arith.constant 64 : index
      %swap3A_144 = tpu.vector_load %arg6[%swap3A_141, %swap3A_142, %swap3A_143] {strides = array<i32>} : memref<5x128x128xf32, #tpu.memory_space<vmem>>, vector<16xf32>,
      tpu.vector_store %arg6[%swap3A_141, %swap3A_142, %swap3A_143], %broadcast_in_dim3A_7 {strides = array<i32>} : memref<5x128x128xf32, #tpu.memory_space<vmem>>, vector<16xf32>,
      %swap3A_145 = arith.constant 4 : i32
      %swap3A_146 = arith.index_cast %swap3A_145 : i32 to index
      %swap3A_147 = arith.index_cast %add3A_120 : i32 to index
      %swap3A_148 = arith.constant 80 : index
      %swap3A_149 = tpu.vector_load %arg6[%swap3A_146, %swap3A_147, %swap3A_148] {strides = array<i32>} : memref<5x128x128xf32, #tpu.memory_space<vmem>>, vector<16xf32>,
      tpu.vector_store %arg6[%swap3A_146, %swap3A_147, %swap3A_148], %broadcast_in_dim3A_7 {strides = array<i32>} : memref<5x128x128xf32, #tpu.memory_space<vmem>>, vector<16xf32>,
      %swap3A_150 = arith.constant 4 : i32
      %swap3A_151 = arith.index_cast %swap3A_150 : i32 to index
      %swap3A_152 = arith.index_cast %add3A_120 : i32 to index
      %swap3A_153 = arith.constant 96 : index
      %swap3A_154 = tpu.vector_load %arg6[%swap3A_151, %swap3A_152, %swap3A_153] {strides = array<i32>} : memref<5x128x128xf32, #tpu.memory_space<vmem>>, vector<16xf32>,
      tpu.vector_store %arg6[%swap3A_151, %swap3A_152, %swap3A_153], %broadcast_in_dim3A_7 {strides = array<i32>} : memref<5x128x128xf32, #tpu.memory_space<vmem>>, vector<16xf32>,
      %swap3A_155 = arith.constant 4 : i32
      %swap3A_156 = arith.index_cast %swap3A_155 : i32 to index
      %swap3A_157 = arith.index_cast %add3A_120 : i32 to index
      %swap3A_158 = arith.constant 112 : index
      %swap3A_159 = tpu.vector_load %arg6[%swap3A_156, %swap3A_157, %swap3A_158] {strides = array<i32>} : memref<5x128x128xf32, #tpu.memory_space<vmem>>, vector<16xf32>,
      tpu.vector_store %arg6[%swap3A_156, %swap3A_157, %swap3A_158], %broadcast_in_dim3A_7 {strides = array<i32>} : memref<5x128x128xf32, #tpu.memory_space<vmem>>, vector<16xf32>,
    }
    %scan3A_31 = arith.constant 128 : i32
    %scan3A_32 = arith.constant 0 : i32
    %scan3A_33 = arith.constant 40 : i32
    %scan3A_34 = arith.addi %scan3A_32, %scan3A_33 : i32
    %scan3A_35 = arith.constant 1 : i32
    scf.for %scan3A_116 = %scan3A_32 to %scan3A_34 step %scan3A_35  : i32 {
      %mul3A_117 = arith.constant 1 : i32
      %mul3A_118 = arith.muli %scan3A_116, %mul3A_117 : i32
      %add3A_119 = arith.constant 0 : i32
      %add3A_120 = arith.addi %add3A_119, %mul3A_118 : i32
      %mul3A_121 = arith.constant 5 : i32
      %mul3A_122 = arith.muli %add3A_120, %mul3A_121 : i32
      %add3A_123 = arith.constant 0 : i32
      %add3A_124 = arith.addi %mul3A_122, %add3A_123 : i32
      %gt3A = arith.constant 0 : i32
      %gt3A_125 = arith.cmpi sgt, %add3A_120, %gt3A : i32
      %convert_element_type3A = arith.extui %gt3A_125 : i1 to i32
      %cond3A = arith.constant 0 : i32
      %cond3A_126 = arith.cmpi ne, %convert_element_type3A, %cond3A : i32
      scf.if %cond3A_126 {
        %dma_wait3A_695 = arith.constant 0 : i32
        %dma_wait3A_696 = arith.constant 0 : i32
        %dma_wait3A_697 = arith.constant 0 : i32
        %dma_wait3A_698 = arith.constant 0 : i32
        %dma_wait3A_699 = tpu.memref_slice %arg6[%dma_wait3A_695, %dma_wait3A_697, %dma_wait3A_698] : memref<5x128x128xf32, #tpu.memory_space<vmem>> -> memref<1x128x128xf32, #tpu.memory_space<vmem>>
        %dma_wait3A_700 = tpu.memref_squeeze %dma_wait3A_699 : memref<1x128x128xf32, #tpu.memory_space<vmem>> -> memref<128x128xf32, #tpu.memory_space<vmem>>
        %dma_wait3A_701 = arith.constant 0 : i32
        %dma_wait3A_702 = tpu.memref_slice %arg4[%mul3A_2, %dma_wait3A_701] : memref<819200x128xf32, #tpu.memory_space<hbm>> -> memref<128x128xf32, #tpu.memory_space<hbm>>
        %dma_wait3A_703 = tpu.memref_slice %arg7[%dma_wait3A_696] : memref<5x!tpu.dma_semaphore, #tpu.memory_space<semaphore_mem>> -> memref<1x!tpu.dma_semaphore, #tpu.memory_space<semaphore_mem>>
        %dma_wait3A_704 = tpu.memref_squeeze %dma_wait3A_703 : memref<1x!tpu.dma_semaphore, #tpu.memory_space<semaphore_mem>> -> memref<!tpu.dma_semaphore, #tpu.memory_space<semaphore_mem>>
        %dma_wait3A_705 = arith.constant 0 : i32
        %dma_wait3A_706 = tpu.memref_slice %arg4[%mul3A_2, %dma_wait3A_705] : memref<819200x128xf32, #tpu.memory_space<hbm>> -> memref<128x128xf32, #tpu.memory_space<hbm>>
        %dma_wait3A_707 = arith.constant 0 : i32
        %dma_wait3A_708 = arith.constant 0 : i32
        %dma_wait3A_709 = tpu.memref_slice %arg6[%dma_wait3A_695, %dma_wait3A_707, %dma_wait3A_708] : memref<5x128x128xf32, #tpu.memory_space<vmem>> -> memref<1x128x128xf32, #tpu.memory_space<vmem>>
        %dma_wait3A_710 = tpu.memref_squeeze %dma_wait3A_709 : memref<1x128x128xf32, #tpu.memory_space<vmem>> -> memref<128x128xf32, #tpu.memory_space<vmem>>
        tpu.wait_dma2 semaphore(%dma_wait3A_704 : memref<!tpu.dma_semaphore, #tpu.memory_space<semaphore_mem>>) src(%dma_wait3A_710 : memref<128x128xf32, #tpu.memory_space<vmem>>) dst(%dma_wait3A_706 : memref<128x128xf32, #tpu.memory_space<hbm>>)
        %sub3A = arith.constant 5 : i32
        %sub3A_711 = arith.subi %add3A_124, %sub3A : i32
        %add3A_712 = arith.constant 0 : i32
        %add3A_713 = vector.broadcast %add3A_712 : i32 to vector<16xi32>
        %add3A_714 = arith.addi %iota3A, %add3A_713 : vector<16xi32>
        %get3A_715 = arith.index_cast %sub3A_711 : i32 to index
        %get3A_716 = arith.constant 0 : index
        %get3A_717 = tpu.vector_load %arg5[%get3A_715, %get3A_716] {strides = array<i32>} : memref<200x128xi32, #tpu.memory_space<vmem>>, vector<16xi32>,
        %scatter3A_718 = arith.constant 0 : i32
        %scatter3A_719 = arith.constant 0 : i32
        %scatter3A_720 = arith.constant 0 : i32
        %scatter3A_721 = tpu.memref_slice %arg6[%scatter3A_718, %scatter3A_719, %scatter3A_720] : memref<5x128x128xf32, #tpu.memory_space<vmem>> -> memref<1x128x128xf32, #tpu.memory_space<vmem>>
        %scatter3A_722 = tpu.memref_squeeze %scatter3A_721 : memref<1x128x128xf32, #tpu.memory_space<vmem>> -> memref<128x128xf32, #tpu.memory_space<vmem>>
        tpu.vector_store_idx %scatter3A_722[%add3A_714, %get3A_717], %broadcast_in_dim3A_7 : memref<128x128xf32, #tpu.memory_space<vmem>>[vector<16xi32>, vector<16xi32>], vector<16xf32>,
        %add3A_723 = arith.constant 16 : i32
        %add3A_724 = vector.broadcast %add3A_723 : i32 to vector<16xi32>
        %add3A_725 = arith.addi %iota3A, %add3A_724 : vector<16xi32>
        %get3A_726 = arith.index_cast %sub3A_711 : i32 to index
        %get3A_727 = arith.constant 16 : index
        %get3A_728 = tpu.vector_load %arg5[%get3A_726, %get3A_727] {strides = array<i32>} : memref<200x128xi32, #tpu.memory_space<vmem>>, vector<16xi32>,
        %scatter3A_729 = arith.constant 0 : i32
        %scatter3A_730 = arith.constant 0 : i32
        %scatter3A_731 = arith.constant 0 : i32
        %scatter3A_732 = tpu.memref_slice %arg6[%scatter3A_729, %scatter3A_730, %scatter3A_731] : memref<5x128x128xf32, #tpu.memory_space<vmem>> -> memref<1x128x128xf32, #tpu.memory_space<vmem>>
        %scatter3A_733 = tpu.memref_squeeze %scatter3A_732 : memref<1x128x128xf32, #tpu.memory_space<vmem>> -> memref<128x128xf32, #tpu.memory_space<vmem>>
        tpu.vector_store_idx %scatter3A_733[%add3A_725, %get3A_728], %broadcast_in_dim3A_7 : memref<128x128xf32, #tpu.memory_space<vmem>>[vector<16xi32>, vector<16xi32>], vector<16xf32>,
        %add3A_734 = arith.constant 32 : i32
        %add3A_735 = vector.broadcast %add3A_734 : i32 to vector<16xi32>
        %add3A_736 = arith.addi %iota3A, %add3A_735 : vector<16xi32>
        %get3A_737 = arith.index_cast %sub3A_711 : i32 to index
        %get3A_738 = arith.constant 32 : index
        %get3A_739 = tpu.vector_load %arg5[%get3A_737, %get3A_738] {strides = array<i32>} : memref<200x128xi32, #tpu.memory_space<vmem>>, vector<16xi32>,
        %scatter3A_740 = arith.constant 0 : i32
        %scatter3A_741 = arith.constant 0 : i32
        %scatter3A_742 = arith.constant 0 : i32
        %scatter3A_743 = tpu.memref_slice %arg6[%scatter3A_740, %scatter3A_741, %scatter3A_742] : memref<5x128x128xf32, #tpu.memory_space<vmem>> -> memref<1x128x128xf32, #tpu.memory_space<vmem>>
        %scatter3A_744 = tpu.memref_squeeze %scatter3A_743 : memref<1x128x128xf32, #tpu.memory_space<vmem>> -> memref<128x128xf32, #tpu.memory_space<vmem>>
        tpu.vector_store_idx %scatter3A_744[%add3A_736, %get3A_739], %broadcast_in_dim3A_7 : memref<128x128xf32, #tpu.memory_space<vmem>>[vector<16xi32>, vector<16xi32>], vector<16xf32>,
        %add3A_745 = arith.constant 48 : i32
        %add3A_746 = vector.broadcast %add3A_745 : i32 to vector<16xi32>
        %add3A_747 = arith.addi %iota3A, %add3A_746 : vector<16xi32>
        %get3A_748 = arith.index_cast %sub3A_711 : i32 to index
        %get3A_749 = arith.constant 48 : index
        %get3A_750 = tpu.vector_load %arg5[%get3A_748, %get3A_749] {strides = array<i32>} : memref<200x128xi32, #tpu.memory_space<vmem>>, vector<16xi32>,
        %scatter3A_751 = arith.constant 0 : i32
        %scatter3A_752 = arith.constant 0 : i32
        %scatter3A_753 = arith.constant 0 : i32
        %scatter3A_754 = tpu.memref_slice %arg6[%scatter3A_751, %scatter3A_752, %scatter3A_753] : memref<5x128x128xf32, #tpu.memory_space<vmem>> -> memref<1x128x128xf32, #tpu.memory_space<vmem>>
        %scatter3A_755 = tpu.memref_squeeze %scatter3A_754 : memref<1x128x128xf32, #tpu.memory_space<vmem>> -> memref<128x128xf32, #tpu.memory_space<vmem>>
        tpu.vector_store_idx %scatter3A_755[%add3A_747, %get3A_750], %broadcast_in_dim3A_7 : memref<128x128xf32, #tpu.memory_space<vmem>>[vector<16xi32>, vector<16xi32>], vector<16xf32>,
        %add3A_756 = arith.constant 64 : i32
        %add3A_757 = vector.broadcast %add3A_756 : i32 to vector<16xi32>
        %add3A_758 = arith.addi %iota3A, %add3A_757 : vector<16xi32>
        %get3A_759 = arith.index_cast %sub3A_711 : i32 to index
        %get3A_760 = arith.constant 64 : index
        %get3A_761 = tpu.vector_load %arg5[%get3A_759, %get3A_760] {strides = array<i32>} : memref<200x128xi32, #tpu.memory_space<vmem>>, vector<16xi32>,
        %scatter3A_762 = arith.constant 0 : i32
        %scatter3A_763 = arith.constant 0 : i32
        %scatter3A_764 = arith.constant 0 : i32
        %scatter3A_765 = tpu.memref_slice %arg6[%scatter3A_762, %scatter3A_763, %scatter3A_764] : memref<5x128x128xf32, #tpu.memory_space<vmem>> -> memref<1x128x128xf32, #tpu.memory_space<vmem>>
        %scatter3A_766 = tpu.memref_squeeze %scatter3A_765 : memref<1x128x128xf32, #tpu.memory_space<vmem>> -> memref<128x128xf32, #tpu.memory_space<vmem>>
        tpu.vector_store_idx %scatter3A_766[%add3A_758, %get3A_761], %broadcast_in_dim3A_7 : memref<128x128xf32, #tpu.memory_space<vmem>>[vector<16xi32>, vector<16xi32>], vector<16xf32>,
        %add3A_767 = arith.constant 80 : i32
        %add3A_768 = vector.broadcast %add3A_767 : i32 to vector<16xi32>
        %add3A_769 = arith.addi %iota3A, %add3A_768 : vector<16xi32>
        %get3A_770 = arith.index_cast %sub3A_711 : i32 to index
        %get3A_771 = arith.constant 80 : index
        %get3A_772 = tpu.vector_load %arg5[%get3A_770, %get3A_771] {strides = array<i32>} : memref<200x128xi32, #tpu.memory_space<vmem>>, vector<16xi32>,
        %scatter3A_773 = arith.constant 0 : i32
        %scatter3A_774 = arith.constant 0 : i32
        %scatter3A_775 = arith.constant 0 : i32
        %scatter3A_776 = tpu.memref_slice %arg6[%scatter3A_773, %scatter3A_774, %scatter3A_775] : memref<5x128x128xf32, #tpu.memory_space<vmem>> -> memref<1x128x128xf32, #tpu.memory_space<vmem>>
        %scatter3A_777 = tpu.memref_squeeze %scatter3A_776 : memref<1x128x128xf32, #tpu.memory_space<vmem>> -> memref<128x128xf32, #tpu.memory_space<vmem>>
        tpu.vector_store_idx %scatter3A_777[%add3A_769, %get3A_772], %broadcast_in_dim3A_7 : memref<128x128xf32, #tpu.memory_space<vmem>>[vector<16xi32>, vector<16xi32>], vector<16xf32>,
        %add3A_778 = arith.constant 96 : i32
        %add3A_779 = vector.broadcast %add3A_778 : i32 to vector<16xi32>
        %add3A_780 = arith.addi %iota3A, %add3A_779 : vector<16xi32>
        %get3A_781 = arith.index_cast %sub3A_711 : i32 to index
        %get3A_782 = arith.constant 96 : index
        %get3A_783 = tpu.vector_load %arg5[%get3A_781, %get3A_782] {strides = array<i32>} : memref<200x128xi32, #tpu.memory_space<vmem>>, vector<16xi32>,
        %scatter3A_784 = arith.constant 0 : i32
        %scatter3A_785 = arith.constant 0 : i32
        %scatter3A_786 = arith.constant 0 : i32
        %scatter3A_787 = tpu.memref_slice %arg6[%scatter3A_784, %scatter3A_785, %scatter3A_786] : memref<5x128x128xf32, #tpu.memory_space<vmem>> -> memref<1x128x128xf32, #tpu.memory_space<vmem>>
        %scatter3A_788 = tpu.memref_squeeze %scatter3A_787 : memref<1x128x128xf32, #tpu.memory_space<vmem>> -> memref<128x128xf32, #tpu.memory_space<vmem>>
        tpu.vector_store_idx %scatter3A_788[%add3A_780, %get3A_783], %broadcast_in_dim3A_7 : memref<128x128xf32, #tpu.memory_space<vmem>>[vector<16xi32>, vector<16xi32>], vector<16xf32>,
        %add3A_789 = arith.constant 112 : i32
        %add3A_790 = vector.broadcast %add3A_789 : i32 to vector<16xi32>
        %add3A_791 = arith.addi %iota3A, %add3A_790 : vector<16xi32>
        %get3A_792 = arith.index_cast %sub3A_711 : i32 to index
        %get3A_793 = arith.constant 112 : index
        %get3A_794 = tpu.vector_load %arg5[%get3A_792, %get3A_793] {strides = array<i32>} : memref<200x128xi32, #tpu.memory_space<vmem>>, vector<16xi32>,
        %scatter3A_795 = arith.constant 0 : i32
        %scatter3A_796 = arith.constant 0 : i32
        %scatter3A_797 = arith.constant 0 : i32
        %scatter3A_798 = tpu.memref_slice %arg6[%scatter3A_795, %scatter3A_796, %scatter3A_797] : memref<5x128x128xf32, #tpu.memory_space<vmem>> -> memref<1x128x128xf32, #tpu.memory_space<vmem>>
        %scatter3A_799 = tpu.memref_squeeze %scatter3A_798 : memref<1x128x128xf32, #tpu.memory_space<vmem>> -> memref<128x128xf32, #tpu.memory_space<vmem>>
        tpu.vector_store_idx %scatter3A_799[%add3A_791, %get3A_794], %broadcast_in_dim3A_7 : memref<128x128xf32, #tpu.memory_space<vmem>>[vector<16xi32>, vector<16xi32>], vector<16xf32>,
      } else {
      }
      %add3A_127 = arith.constant 0 : i32
      %add3A_128 = vector.broadcast %add3A_127 : i32 to vector<16xi32>
      %add3A_129 = arith.addi %iota3A, %add3A_128 : vector<16xi32>
      %get3A = arith.index_cast %add3A_124 : i32 to index
      %get3A_130 = arith.constant 0 : index
      %get3A_131 = tpu.vector_load %arg5[%get3A, %get3A_130] {strides = array<i32>} : memref<200x128xi32, #tpu.memory_space<vmem>>, vector<16xi32>,
      %scatter3A = arith.constant 0 : i32
      %scatter3A_132 = arith.constant 0 : i32
      %scatter3A_133 = arith.constant 0 : i32
      %scatter3A_134 = tpu.memref_slice %arg6[%scatter3A, %scatter3A_132, %scatter3A_133] : memref<5x128x128xf32, #tpu.memory_space<vmem>> -> memref<1x128x128xf32, #tpu.memory_space<vmem>>
      %scatter3A_135 = tpu.memref_squeeze %scatter3A_134 : memref<1x128x128xf32, #tpu.memory_space<vmem>> -> memref<128x128xf32, #tpu.memory_space<vmem>>
      tpu.vector_store_idx %scatter3A_135[%add3A_129, %get3A_131], %broadcast_in_dim3A_5 : memref<128x128xf32, #tpu.memory_space<vmem>>[vector<16xi32>, vector<16xi32>], vector<16xf32>,
      %add3A_136 = arith.constant 16 : i32
      %add3A_137 = vector.broadcast %add3A_136 : i32 to vector<16xi32>
      %add3A_138 = arith.addi %iota3A, %add3A_137 : vector<16xi32>
      %get3A_139 = arith.index_cast %add3A_124 : i32 to index
      %get3A_140 = arith.constant 16 : index
      %get3A_141 = tpu.vector_load %arg5[%get3A_139, %get3A_140] {strides = array<i32>} : memref<200x128xi32, #tpu.memory_space<vmem>>, vector<16xi32>,
      %scatter3A_142 = arith.constant 0 : i32
      %scatter3A_143 = arith.constant 0 : i32
      %scatter3A_144 = arith.constant 0 : i32
      %scatter3A_145 = tpu.memref_slice %arg6[%scatter3A_142, %scatter3A_143, %scatter3A_144] : memref<5x128x128xf32, #tpu.memory_space<vmem>> -> memref<1x128x128xf32, #tpu.memory_space<vmem>>
      %scatter3A_146 = tpu.memref_squeeze %scatter3A_145 : memref<1x128x128xf32, #tpu.memory_space<vmem>> -> memref<128x128xf32, #tpu.memory_space<vmem>>
      tpu.vector_store_idx %scatter3A_146[%add3A_138, %get3A_141], %broadcast_in_dim3A_5 : memref<128x128xf32, #tpu.memory_space<vmem>>[vector<16xi32>, vector<16xi32>], vector<16xf32>,
      %add3A_147 = arith.constant 32 : i32
      %add3A_148 = vector.broadcast %add3A_147 : i32 to vector<16xi32>
      %add3A_149 = arith.addi %iota3A, %add3A_148 : vector<16xi32>
      %get3A_150 = arith.index_cast %add3A_124 : i32 to index
      %get3A_151 = arith.constant 32 : index
      %get3A_152 = tpu.vector_load %arg5[%get3A_150, %get3A_151] {strides = array<i32>} : memref<200x128xi32, #tpu.memory_space<vmem>>, vector<16xi32>,
      %scatter3A_153 = arith.constant 0 : i32
      %scatter3A_154 = arith.constant 0 : i32
      %scatter3A_155 = arith.constant 0 : i32
      %scatter3A_156 = tpu.memref_slice %arg6[%scatter3A_153, %scatter3A_154, %scatter3A_155] : memref<5x128x128xf32, #tpu.memory_space<vmem>> -> memref<1x128x128xf32, #tpu.memory_space<vmem>>
      %scatter3A_157 = tpu.memref_squeeze %scatter3A_156 : memref<1x128x128xf32, #tpu.memory_space<vmem>> -> memref<128x128xf32, #tpu.memory_space<vmem>>
      tpu.vector_store_idx %scatter3A_157[%add3A_149, %get3A_152], %broadcast_in_dim3A_5 : memref<128x128xf32, #tpu.memory_space<vmem>>[vector<16xi32>, vector<16xi32>], vector<16xf32>,
      %add3A_158 = arith.constant 48 : i32
      %add3A_159 = vector.broadcast %add3A_158 : i32 to vector<16xi32>
      %add3A_160 = arith.addi %iota3A, %add3A_159 : vector<16xi32>
      %get3A_161 = arith.index_cast %add3A_124 : i32 to index
      %get3A_162 = arith.constant 48 : index
      %get3A_163 = tpu.vector_load %arg5[%get3A_161, %get3A_162] {strides = array<i32>} : memref<200x128xi32, #tpu.memory_space<vmem>>, vector<16xi32>,
      %scatter3A_164 = arith.constant 0 : i32
      %scatter3A_165 = arith.constant 0 : i32
      %scatter3A_166 = arith.constant 0 : i32
      %scatter3A_167 = tpu.memref_slice %arg6[%scatter3A_164, %scatter3A_165, %scatter3A_166] : memref<5x128x128xf32, #tpu.memory_space<vmem>> -> memref<1x128x128xf32, #tpu.memory_space<vmem>>
      %scatter3A_168 = tpu.memref_squeeze %scatter3A_167 : memref<1x128x128xf32, #tpu.memory_space<vmem>> -> memref<128x128xf32, #tpu.memory_space<vmem>>
      tpu.vector_store_idx %scatter3A_168[%add3A_160, %get3A_163], %broadcast_in_dim3A_5 : memref<128x128xf32, #tpu.memory_space<vmem>>[vector<16xi32>, vector<16xi32>], vector<16xf32>,
      %add3A_169 = arith.constant 64 : i32
      %add3A_170 = vector.broadcast %add3A_169 : i32 to vector<16xi32>
      %add3A_171 = arith.addi %iota3A, %add3A_170 : vector<16xi32>
      %get3A_172 = arith.index_cast %add3A_124 : i32 to index
      %get3A_173 = arith.constant 64 : index
      %get3A_174 = tpu.vector_load %arg5[%get3A_172, %get3A_173] {strides = array<i32>} : memref<200x128xi32, #tpu.memory_space<vmem>>, vector<16xi32>,
      %scatter3A_175 = arith.constant 0 : i32
      %scatter3A_176 = arith.constant 0 : i32
      %scatter3A_177 = arith.constant 0 : i32
      %scatter3A_178 = tpu.memref_slice %arg6[%scatter3A_175, %scatter3A_176, %scatter3A_177] : memref<5x128x128xf32, #tpu.memory_space<vmem>> -> memref<1x128x128xf32, #tpu.memory_space<vmem>>
      %scatter3A_179 = tpu.memref_squeeze %scatter3A_178 : memref<1x128x128xf32, #tpu.memory_space<vmem>> -> memref<128x128xf32, #tpu.memory_space<vmem>>
      tpu.vector_store_idx %scatter3A_179[%add3A_171, %get3A_174], %broadcast_in_dim3A_5 : memref<128x128xf32, #tpu.memory_space<vmem>>[vector<16xi32>, vector<16xi32>], vector<16xf32>,
      %add3A_180 = arith.constant 80 : i32
      %add3A_181 = vector.broadcast %add3A_180 : i32 to vector<16xi32>
      %add3A_182 = arith.addi %iota3A, %add3A_181 : vector<16xi32>
      %get3A_183 = arith.index_cast %add3A_124 : i32 to index
      %get3A_184 = arith.constant 80 : index
      %get3A_185 = tpu.vector_load %arg5[%get3A_183, %get3A_184] {strides = array<i32>} : memref<200x128xi32, #tpu.memory_space<vmem>>, vector<16xi32>,
      %scatter3A_186 = arith.constant 0 : i32
      %scatter3A_187 = arith.constant 0 : i32
      %scatter3A_188 = arith.constant 0 : i32
      %scatter3A_189 = tpu.memref_slice %arg6[%scatter3A_186, %scatter3A_187, %scatter3A_188] : memref<5x128x128xf32, #tpu.memory_space<vmem>> -> memref<1x128x128xf32, #tpu.memory_space<vmem>>
      %scatter3A_190 = tpu.memref_squeeze %scatter3A_189 : memref<1x128x128xf32, #tpu.memory_space<vmem>> -> memref<128x128xf32, #tpu.memory_space<vmem>>
      tpu.vector_store_idx %scatter3A_190[%add3A_182, %get3A_185], %broadcast_in_dim3A_5 : memref<128x128xf32, #tpu.memory_space<vmem>>[vector<16xi32>, vector<16xi32>], vector<16xf32>,
      %add3A_191 = arith.constant 96 : i32
      %add3A_192 = vector.broadcast %add3A_191 : i32 to vector<16xi32>
      %add3A_193 = arith.addi %iota3A, %add3A_192 : vector<16xi32>
      %get3A_194 = arith.index_cast %add3A_124 : i32 to index
      %get3A_195 = arith.constant 96 : index
      %get3A_196 = tpu.vector_load %arg5[%get3A_194, %get3A_195] {strides = array<i32>} : memref<200x128xi32, #tpu.memory_space<vmem>>, vector<16xi32>,
      %scatter3A_197 = arith.constant 0 : i32
      %scatter3A_198 = arith.constant 0 : i32
      %scatter3A_199 = arith.constant 0 : i32
      %scatter3A_200 = tpu.memref_slice %arg6[%scatter3A_197, %scatter3A_198, %scatter3A_199] : memref<5x128x128xf32, #tpu.memory_space<vmem>> -> memref<1x128x128xf32, #tpu.memory_space<vmem>>
      %scatter3A_201 = tpu.memref_squeeze %scatter3A_200 : memref<1x128x128xf32, #tpu.memory_space<vmem>> -> memref<128x128xf32, #tpu.memory_space<vmem>>
      tpu.vector_store_idx %scatter3A_201[%add3A_193, %get3A_196], %broadcast_in_dim3A_5 : memref<128x128xf32, #tpu.memory_space<vmem>>[vector<16xi32>, vector<16xi32>], vector<16xf32>,
      %add3A_202 = arith.constant 112 : i32
      %add3A_203 = vector.broadcast %add3A_202 : i32 to vector<16xi32>
      %add3A_204 = arith.addi %iota3A, %add3A_203 : vector<16xi32>
      %get3A_205 = arith.index_cast %add3A_124 : i32 to index
      %get3A_206 = arith.constant 112 : index
      %get3A_207 = tpu.vector_load %arg5[%get3A_205, %get3A_206] {strides = array<i32>} : memref<200x128xi32, #tpu.memory_space<vmem>>, vector<16xi32>,
      %scatter3A_208 = arith.constant 0 : i32
      %scatter3A_209 = arith.constant 0 : i32
      %scatter3A_210 = arith.constant 0 : i32
      %scatter3A_211 = tpu.memref_slice %arg6[%scatter3A_208, %scatter3A_209, %scatter3A_210] : memref<5x128x128xf32, #tpu.memory_space<vmem>> -> memref<1x128x128xf32, #tpu.memory_space<vmem>>
      %scatter3A_212 = tpu.memref_squeeze %scatter3A_211 : memref<1x128x128xf32, #tpu.memory_space<vmem>> -> memref<128x128xf32, #tpu.memory_space<vmem>>
      tpu.vector_store_idx %scatter3A_212[%add3A_204, %get3A_207], %broadcast_in_dim3A_5 : memref<128x128xf32, #tpu.memory_space<vmem>>[vector<16xi32>, vector<16xi32>], vector<16xf32>,
      %mul3A_213 = arith.constant 128 : i32
      %mul3A_214 = arith.muli %add3A_124, %mul3A_213 : i32
      %add3A_215 = arith.addi %mul3A_2, %mul3A_214 : i32
      %dma_start3A = arith.constant 0 : i32
      %dma_start3A_216 = arith.constant 0 : i32
      %dma_start3A_217 = arith.constant 0 : i32
      %dma_start3A_218 = arith.constant 0 : i32
      %dma_start3A_219 = tpu.memref_slice %arg6[%dma_start3A, %dma_start3A_217, %dma_start3A_218] : memref<5x128x128xf32, #tpu.memory_space<vmem>> -> memref<1x128x128xf32, #tpu.memory_space<vmem>>
      %dma_start3A_220 = tpu.memref_squeeze %dma_start3A_219 : memref<1x128x128xf32, #tpu.memory_space<vmem>> -> memref<128x128xf32, #tpu.memory_space<vmem>>
      %dma_start3A_221 = arith.constant 0 : i32
      %dma_start3A_222 = tpu.memref_slice %arg4[%add3A_215, %dma_start3A_221] : memref<819200x128xf32, #tpu.memory_space<hbm>> -> memref<128x128xf32, #tpu.memory_space<hbm>>
      %dma_start3A_223 = tpu.memref_slice %arg7[%dma_start3A_216] : memref<5x!tpu.dma_semaphore, #tpu.memory_space<semaphore_mem>> -> memref<1x!tpu.dma_semaphore, #tpu.memory_space<semaphore_mem>>
      %dma_start3A_224 = tpu.memref_squeeze %dma_start3A_223 : memref<1x!tpu.dma_semaphore, #tpu.memory_space<semaphore_mem>> -> memref<!tpu.dma_semaphore, #tpu.memory_space<semaphore_mem>>
      %dma_start3A_225 = arith.constant 0 : i32
      %dma_start3A_226 = tpu.memref_slice %arg4[%add3A_215, %dma_start3A_225] : memref<819200x128xf32, #tpu.memory_space<hbm>> -> memref<128x128xf32, #tpu.memory_space<hbm>>
      %dma_start3A_227 = arith.constant 0 : i32
      %dma_start3A_228 = arith.constant 0 : i32
      %dma_start3A_229 = tpu.memref_slice %arg6[%dma_start3A, %dma_start3A_227, %dma_start3A_228] : memref<5x128x128xf32, #tpu.memory_space<vmem>> -> memref<1x128x128xf32, #tpu.memory_space<vmem>>
      %dma_start3A_230 = tpu.memref_squeeze %dma_start3A_229 : memref<1x128x128xf32, #tpu.memory_space<vmem>> -> memref<128x128xf32, #tpu.memory_space<vmem>>
      tpu.enqueue_dma source(%dma_start3A_230 : memref<128x128xf32, #tpu.memory_space<vmem>>) target(%dma_start3A_226 : memref<128x128xf32, #tpu.memory_space<hbm>>) target_semaphore(%dma_start3A_224 : memref<!tpu.dma_semaphore, #tpu.memory_space<semaphore_mem>>)
      %mul3A_231 = arith.constant 5 : i32
      %mul3A_232 = arith.muli %add3A_120, %mul3A_231 : i32
      %add3A_233 = arith.constant 1 : i32
      %add3A_234 = arith.addi %mul3A_232, %add3A_233 : i32
      %gt3A_235 = arith.constant 0 : i32
      %gt3A_236 = arith.cmpi sgt, %add3A_120, %gt3A_235 : i32
      %convert_element_type3A_237 = arith.extui %gt3A_236 : i1 to i32
      %cond3A_238 = arith.constant 0 : i32
      %cond3A_239 = arith.cmpi ne, %convert_element_type3A_237, %cond3A_238 : i32
      scf.if %cond3A_239 {
        %dma_wait3A_695 = arith.constant 1 : i32
        %dma_wait3A_696 = arith.constant 1 : i32
        %dma_wait3A_697 = arith.constant 0 : i32
        %dma_wait3A_698 = arith.constant 0 : i32
        %dma_wait3A_699 = tpu.memref_slice %arg6[%dma_wait3A_695, %dma_wait3A_697, %dma_wait3A_698] : memref<5x128x128xf32, #tpu.memory_space<vmem>> -> memref<1x128x128xf32, #tpu.memory_space<vmem>>
        %dma_wait3A_700 = tpu.memref_squeeze %dma_wait3A_699 : memref<1x128x128xf32, #tpu.memory_space<vmem>> -> memref<128x128xf32, #tpu.memory_space<vmem>>
        %dma_wait3A_701 = arith.constant 0 : i32
        %dma_wait3A_702 = tpu.memref_slice %arg4[%mul3A_2, %dma_wait3A_701] : memref<819200x128xf32, #tpu.memory_space<hbm>> -> memref<128x128xf32, #tpu.memory_space<hbm>>
        %dma_wait3A_703 = tpu.memref_slice %arg7[%dma_wait3A_696] : memref<5x!tpu.dma_semaphore, #tpu.memory_space<semaphore_mem>> -> memref<1x!tpu.dma_semaphore, #tpu.memory_space<semaphore_mem>>
        %dma_wait3A_704 = tpu.memref_squeeze %dma_wait3A_703 : memref<1x!tpu.dma_semaphore, #tpu.memory_space<semaphore_mem>> -> memref<!tpu.dma_semaphore, #tpu.memory_space<semaphore_mem>>
        %dma_wait3A_705 = arith.constant 0 : i32
        %dma_wait3A_706 = tpu.memref_slice %arg4[%mul3A_2, %dma_wait3A_705] : memref<819200x128xf32, #tpu.memory_space<hbm>> -> memref<128x128xf32, #tpu.memory_space<hbm>>
        %dma_wait3A_707 = arith.constant 0 : i32
        %dma_wait3A_708 = arith.constant 0 : i32
        %dma_wait3A_709 = tpu.memref_slice %arg6[%dma_wait3A_695, %dma_wait3A_707, %dma_wait3A_708] : memref<5x128x128xf32, #tpu.memory_space<vmem>> -> memref<1x128x128xf32, #tpu.memory_space<vmem>>
        %dma_wait3A_710 = tpu.memref_squeeze %dma_wait3A_709 : memref<1x128x128xf32, #tpu.memory_space<vmem>> -> memref<128x128xf32, #tpu.memory_space<vmem>>
        tpu.wait_dma2 semaphore(%dma_wait3A_704 : memref<!tpu.dma_semaphore, #tpu.memory_space<semaphore_mem>>) src(%dma_wait3A_710 : memref<128x128xf32, #tpu.memory_space<vmem>>) dst(%dma_wait3A_706 : memref<128x128xf32, #tpu.memory_space<hbm>>)
        %sub3A = arith.constant 5 : i32
        %sub3A_711 = arith.subi %add3A_234, %sub3A : i32
        %add3A_712 = arith.constant 0 : i32
        %add3A_713 = vector.broadcast %add3A_712 : i32 to vector<16xi32>
        %add3A_714 = arith.addi %iota3A, %add3A_713 : vector<16xi32>
        %get3A_715 = arith.index_cast %sub3A_711 : i32 to index
        %get3A_716 = arith.constant 0 : index
        %get3A_717 = tpu.vector_load %arg5[%get3A_715, %get3A_716] {strides = array<i32>} : memref<200x128xi32, #tpu.memory_space<vmem>>, vector<16xi32>,
        %scatter3A_718 = arith.constant 1 : i32
        %scatter3A_719 = arith.constant 0 : i32
        %scatter3A_720 = arith.constant 0 : i32
        %scatter3A_721 = tpu.memref_slice %arg6[%scatter3A_718, %scatter3A_719, %scatter3A_720] : memref<5x128x128xf32, #tpu.memory_space<vmem>> -> memref<1x128x128xf32, #tpu.memory_space<vmem>>
        %scatter3A_722 = tpu.memref_squeeze %scatter3A_721 : memref<1x128x128xf32, #tpu.memory_space<vmem>> -> memref<128x128xf32, #tpu.memory_space<vmem>>
        tpu.vector_store_idx %scatter3A_722[%add3A_714, %get3A_717], %broadcast_in_dim3A_7 : memref<128x128xf32, #tpu.memory_space<vmem>>[vector<16xi32>, vector<16xi32>], vector<16xf32>,
        %add3A_723 = arith.constant 16 : i32
        %add3A_724 = vector.broadcast %add3A_723 : i32 to vector<16xi32>
        %add3A_725 = arith.addi %iota3A, %add3A_724 : vector<16xi32>
        %get3A_726 = arith.index_cast %sub3A_711 : i32 to index
        %get3A_727 = arith.constant 16 : index
        %get3A_728 = tpu.vector_load %arg5[%get3A_726, %get3A_727] {strides = array<i32>} : memref<200x128xi32, #tpu.memory_space<vmem>>, vector<16xi32>,
        %scatter3A_729 = arith.constant 1 : i32
        %scatter3A_730 = arith.constant 0 : i32
        %scatter3A_731 = arith.constant 0 : i32
        %scatter3A_732 = tpu.memref_slice %arg6[%scatter3A_729, %scatter3A_730, %scatter3A_731] : memref<5x128x128xf32, #tpu.memory_space<vmem>> -> memref<1x128x128xf32, #tpu.memory_space<vmem>>
        %scatter3A_733 = tpu.memref_squeeze %scatter3A_732 : memref<1x128x128xf32, #tpu.memory_space<vmem>> -> memref<128x128xf32, #tpu.memory_space<vmem>>
        tpu.vector_store_idx %scatter3A_733[%add3A_725, %get3A_728], %broadcast_in_dim3A_7 : memref<128x128xf32, #tpu.memory_space<vmem>>[vector<16xi32>, vector<16xi32>], vector<16xf32>,
        %add3A_734 = arith.constant 32 : i32
        %add3A_735 = vector.broadcast %add3A_734 : i32 to vector<16xi32>
        %add3A_736 = arith.addi %iota3A, %add3A_735 : vector<16xi32>
        %get3A_737 = arith.index_cast %sub3A_711 : i32 to index
        %get3A_738 = arith.constant 32 : index
        %get3A_739 = tpu.vector_load %arg5[%get3A_737, %get3A_738] {strides = array<i32>} : memref<200x128xi32, #tpu.memory_space<vmem>>, vector<16xi32>,
        %scatter3A_740 = arith.constant 1 : i32
        %scatter3A_741 = arith.constant 0 : i32
        %scatter3A_742 = arith.constant 0 : i32
        %scatter3A_743 = tpu.memref_slice %arg6[%scatter3A_740, %scatter3A_741, %scatter3A_742] : memref<5x128x128xf32, #tpu.memory_space<vmem>> -> memref<1x128x128xf32, #tpu.memory_space<vmem>>
        %scatter3A_744 = tpu.memref_squeeze %scatter3A_743 : memref<1x128x128xf32, #tpu.memory_space<vmem>> -> memref<128x128xf32, #tpu.memory_space<vmem>>
        tpu.vector_store_idx %scatter3A_744[%add3A_736, %get3A_739], %broadcast_in_dim3A_7 : memref<128x128xf32, #tpu.memory_space<vmem>>[vector<16xi32>, vector<16xi32>], vector<16xf32>,
        %add3A_745 = arith.constant 48 : i32
        %add3A_746 = vector.broadcast %add3A_745 : i32 to vector<16xi32>
        %add3A_747 = arith.addi %iota3A, %add3A_746 : vector<16xi32>
        %get3A_748 = arith.index_cast %sub3A_711 : i32 to index
        %get3A_749 = arith.constant 48 : index
        %get3A_750 = tpu.vector_load %arg5[%get3A_748, %get3A_749] {strides = array<i32>} : memref<200x128xi32, #tpu.memory_space<vmem>>, vector<16xi32>,
        %scatter3A_751 = arith.constant 1 : i32
        %scatter3A_752 = arith.constant 0 : i32
        %scatter3A_753 = arith.constant 0 : i32
        %scatter3A_754 = tpu.memref_slice %arg6[%scatter3A_751, %scatter3A_752, %scatter3A_753] : memref<5x128x128xf32, #tpu.memory_space<vmem>> -> memref<1x128x128xf32, #tpu.memory_space<vmem>>
        %scatter3A_755 = tpu.memref_squeeze %scatter3A_754 : memref<1x128x128xf32, #tpu.memory_space<vmem>> -> memref<128x128xf32, #tpu.memory_space<vmem>>
        tpu.vector_store_idx %scatter3A_755[%add3A_747, %get3A_750], %broadcast_in_dim3A_7 : memref<128x128xf32, #tpu.memory_space<vmem>>[vector<16xi32>, vector<16xi32>], vector<16xf32>,
        %add3A_756 = arith.constant 64 : i32
        %add3A_757 = vector.broadcast %add3A_756 : i32 to vector<16xi32>
        %add3A_758 = arith.addi %iota3A, %add3A_757 : vector<16xi32>
        %get3A_759 = arith.index_cast %sub3A_711 : i32 to index
        %get3A_760 = arith.constant 64 : index
        %get3A_761 = tpu.vector_load %arg5[%get3A_759, %get3A_760] {strides = array<i32>} : memref<200x128xi32, #tpu.memory_space<vmem>>, vector<16xi32>,
        %scatter3A_762 = arith.constant 1 : i32
        %scatter3A_763 = arith.constant 0 : i32
        %scatter3A_764 = arith.constant 0 : i32
        %scatter3A_765 = tpu.memref_slice %arg6[%scatter3A_762, %scatter3A_763, %scatter3A_764] : memref<5x128x128xf32, #tpu.memory_space<vmem>> -> memref<1x128x128xf32, #tpu.memory_space<vmem>>
        %scatter3A_766 = tpu.memref_squeeze %scatter3A_765 : memref<1x128x128xf32, #tpu.memory_space<vmem>> -> memref<128x128xf32, #tpu.memory_space<vmem>>
        tpu.vector_store_idx %scatter3A_766[%add3A_758, %get3A_761], %broadcast_in_dim3A_7 : memref<128x128xf32, #tpu.memory_space<vmem>>[vector<16xi32>, vector<16xi32>], vector<16xf32>,
        %add3A_767 = arith.constant 80 : i32
        %add3A_768 = vector.broadcast %add3A_767 : i32 to vector<16xi32>
        %add3A_769 = arith.addi %iota3A, %add3A_768 : vector<16xi32>
        %get3A_770 = arith.index_cast %sub3A_711 : i32 to index
        %get3A_771 = arith.constant 80 : index
        %get3A_772 = tpu.vector_load %arg5[%get3A_770, %get3A_771] {strides = array<i32>} : memref<200x128xi32, #tpu.memory_space<vmem>>, vector<16xi32>,
        %scatter3A_773 = arith.constant 1 : i32
        %scatter3A_774 = arith.constant 0 : i32
        %scatter3A_775 = arith.constant 0 : i32
        %scatter3A_776 = tpu.memref_slice %arg6[%scatter3A_773, %scatter3A_774, %scatter3A_775] : memref<5x128x128xf32, #tpu.memory_space<vmem>> -> memref<1x128x128xf32, #tpu.memory_space<vmem>>
        %scatter3A_777 = tpu.memref_squeeze %scatter3A_776 : memref<1x128x128xf32, #tpu.memory_space<vmem>> -> memref<128x128xf32, #tpu.memory_space<vmem>>
        tpu.vector_store_idx %scatter3A_777[%add3A_769, %get3A_772], %broadcast_in_dim3A_7 : memref<128x128xf32, #tpu.memory_space<vmem>>[vector<16xi32>, vector<16xi32>], vector<16xf32>,
        %add3A_778 = arith.constant 96 : i32
        %add3A_779 = vector.broadcast %add3A_778 : i32 to vector<16xi32>
        %add3A_780 = arith.addi %iota3A, %add3A_779 : vector<16xi32>
        %get3A_781 = arith.index_cast %sub3A_711 : i32 to index
        %get3A_782 = arith.constant 96 : index
        %get3A_783 = tpu.vector_load %arg5[%get3A_781, %get3A_782] {strides = array<i32>} : memref<200x128xi32, #tpu.memory_space<vmem>>, vector<16xi32>,
        %scatter3A_784 = arith.constant 1 : i32
        %scatter3A_785 = arith.constant 0 : i32
        %scatter3A_786 = arith.constant 0 : i32
        %scatter3A_787 = tpu.memref_slice %arg6[%scatter3A_784, %scatter3A_785, %scatter3A_786] : memref<5x128x128xf32, #tpu.memory_space<vmem>> -> memref<1x128x128xf32, #tpu.memory_space<vmem>>
        %scatter3A_788 = tpu.memref_squeeze %scatter3A_787 : memref<1x128x128xf32, #tpu.memory_space<vmem>> -> memref<128x128xf32, #tpu.memory_space<vmem>>
        tpu.vector_store_idx %scatter3A_788[%add3A_780, %get3A_783], %broadcast_in_dim3A_7 : memref<128x128xf32, #tpu.memory_space<vmem>>[vector<16xi32>, vector<16xi32>], vector<16xf32>,
        %add3A_789 = arith.constant 112 : i32
        %add3A_790 = vector.broadcast %add3A_789 : i32 to vector<16xi32>
        %add3A_791 = arith.addi %iota3A, %add3A_790 : vector<16xi32>
        %get3A_792 = arith.index_cast %sub3A_711 : i32 to index
        %get3A_793 = arith.constant 112 : index
        %get3A_794 = tpu.vector_load %arg5[%get3A_792, %get3A_793] {strides = array<i32>} : memref<200x128xi32, #tpu.memory_space<vmem>>, vector<16xi32>,
        %scatter3A_795 = arith.constant 1 : i32
        %scatter3A_796 = arith.constant 0 : i32
        %scatter3A_797 = arith.constant 0 : i32
        %scatter3A_798 = tpu.memref_slice %arg6[%scatter3A_795, %scatter3A_796, %scatter3A_797] : memref<5x128x128xf32, #tpu.memory_space<vmem>> -> memref<1x128x128xf32, #tpu.memory_space<vmem>>
        %scatter3A_799 = tpu.memref_squeeze %scatter3A_798 : memref<1x128x128xf32, #tpu.memory_space<vmem>> -> memref<128x128xf32, #tpu.memory_space<vmem>>
        tpu.vector_store_idx %scatter3A_799[%add3A_791, %get3A_794], %broadcast_in_dim3A_7 : memref<128x128xf32, #tpu.memory_space<vmem>>[vector<16xi32>, vector<16xi32>], vector<16xf32>,
      } else {
      }
      %add3A_240 = arith.constant 0 : i32
      %add3A_241 = vector.broadcast %add3A_240 : i32 to vector<16xi32>
      %add3A_242 = arith.addi %iota3A, %add3A_241 : vector<16xi32>
      %get3A_243 = arith.index_cast %add3A_234 : i32 to index
      %get3A_244 = arith.constant 0 : index
      %get3A_245 = tpu.vector_load %arg5[%get3A_243, %get3A_244] {strides = array<i32>} : memref<200x128xi32, #tpu.memory_space<vmem>>, vector<16xi32>,
      %scatter3A_246 = arith.constant 1 : i32
      %scatter3A_247 = arith.constant 0 : i32
      %scatter3A_248 = arith.constant 0 : i32
      %scatter3A_249 = tpu.memref_slice %arg6[%scatter3A_246, %scatter3A_247, %scatter3A_248] : memref<5x128x128xf32, #tpu.memory_space<vmem>> -> memref<1x128x128xf32, #tpu.memory_space<vmem>>
      %scatter3A_250 = tpu.memref_squeeze %scatter3A_249 : memref<1x128x128xf32, #tpu.memory_space<vmem>> -> memref<128x128xf32, #tpu.memory_space<vmem>>
      tpu.vector_store_idx %scatter3A_250[%add3A_242, %get3A_245], %broadcast_in_dim3A_5 : memref<128x128xf32, #tpu.memory_space<vmem>>[vector<16xi32>, vector<16xi32>], vector<16xf32>,
      %add3A_251 = arith.constant 16 : i32
      %add3A_252 = vector.broadcast %add3A_251 : i32 to vector<16xi32>
      %add3A_253 = arith.addi %iota3A, %add3A_252 : vector<16xi32>
      %get3A_254 = arith.index_cast %add3A_234 : i32 to index
      %get3A_255 = arith.constant 16 : index
      %get3A_256 = tpu.vector_load %arg5[%get3A_254, %get3A_255] {strides = array<i32>} : memref<200x128xi32, #tpu.memory_space<vmem>>, vector<16xi32>,
      %scatter3A_257 = arith.constant 1 : i32
      %scatter3A_258 = arith.constant 0 : i32
      %scatter3A_259 = arith.constant 0 : i32
      %scatter3A_260 = tpu.memref_slice %arg6[%scatter3A_257, %scatter3A_258, %scatter3A_259] : memref<5x128x128xf32, #tpu.memory_space<vmem>> -> memref<1x128x128xf32, #tpu.memory_space<vmem>>
      %scatter3A_261 = tpu.memref_squeeze %scatter3A_260 : memref<1x128x128xf32, #tpu.memory_space<vmem>> -> memref<128x128xf32, #tpu.memory_space<vmem>>
      tpu.vector_store_idx %scatter3A_261[%add3A_253, %get3A_256], %broadcast_in_dim3A_5 : memref<128x128xf32, #tpu.memory_space<vmem>>[vector<16xi32>, vector<16xi32>], vector<16xf32>,
      %add3A_262 = arith.constant 32 : i32
      %add3A_263 = vector.broadcast %add3A_262 : i32 to vector<16xi32>
      %add3A_264 = arith.addi %iota3A, %add3A_263 : vector<16xi32>
      %get3A_265 = arith.index_cast %add3A_234 : i32 to index
      %get3A_266 = arith.constant 32 : index
      %get3A_267 = tpu.vector_load %arg5[%get3A_265, %get3A_266] {strides = array<i32>} : memref<200x128xi32, #tpu.memory_space<vmem>>, vector<16xi32>,
      %scatter3A_268 = arith.constant 1 : i32
      %scatter3A_269 = arith.constant 0 : i32
      %scatter3A_270 = arith.constant 0 : i32
      %scatter3A_271 = tpu.memref_slice %arg6[%scatter3A_268, %scatter3A_269, %scatter3A_270] : memref<5x128x128xf32, #tpu.memory_space<vmem>> -> memref<1x128x128xf32, #tpu.memory_space<vmem>>
      %scatter3A_272 = tpu.memref_squeeze %scatter3A_271 : memref<1x128x128xf32, #tpu.memory_space<vmem>> -> memref<128x128xf32, #tpu.memory_space<vmem>>
      tpu.vector_store_idx %scatter3A_272[%add3A_264, %get3A_267], %broadcast_in_dim3A_5 : memref<128x128xf32, #tpu.memory_space<vmem>>[vector<16xi32>, vector<16xi32>], vector<16xf32>,
      %add3A_273 = arith.constant 48 : i32
      %add3A_274 = vector.broadcast %add3A_273 : i32 to vector<16xi32>
      %add3A_275 = arith.addi %iota3A, %add3A_274 : vector<16xi32>
      %get3A_276 = arith.index_cast %add3A_234 : i32 to index
      %get3A_277 = arith.constant 48 : index
      %get3A_278 = tpu.vector_load %arg5[%get3A_276, %get3A_277] {strides = array<i32>} : memref<200x128xi32, #tpu.memory_space<vmem>>, vector<16xi32>,
      %scatter3A_279 = arith.constant 1 : i32
      %scatter3A_280 = arith.constant 0 : i32
      %scatter3A_281 = arith.constant 0 : i32
      %scatter3A_282 = tpu.memref_slice %arg6[%scatter3A_279, %scatter3A_280, %scatter3A_281] : memref<5x128x128xf32, #tpu.memory_space<vmem>> -> memref<1x128x128xf32, #tpu.memory_space<vmem>>
      %scatter3A_283 = tpu.memref_squeeze %scatter3A_282 : memref<1x128x128xf32, #tpu.memory_space<vmem>> -> memref<128x128xf32, #tpu.memory_space<vmem>>
      tpu.vector_store_idx %scatter3A_283[%add3A_275, %get3A_278], %broadcast_in_dim3A_5 : memref<128x128xf32, #tpu.memory_space<vmem>>[vector<16xi32>, vector<16xi32>], vector<16xf32>,
      %add3A_284 = arith.constant 64 : i32
      %add3A_285 = vector.broadcast %add3A_284 : i32 to vector<16xi32>
      %add3A_286 = arith.addi %iota3A, %add3A_285 : vector<16xi32>
      %get3A_287 = arith.index_cast %add3A_234 : i32 to index
      %get3A_288 = arith.constant 64 : index
      %get3A_289 = tpu.vector_load %arg5[%get3A_287, %get3A_288] {strides = array<i32>} : memref<200x128xi32, #tpu.memory_space<vmem>>, vector<16xi32>,
      %scatter3A_290 = arith.constant 1 : i32
      %scatter3A_291 = arith.constant 0 : i32
      %scatter3A_292 = arith.constant 0 : i32
      %scatter3A_293 = tpu.memref_slice %arg6[%scatter3A_290, %scatter3A_291, %scatter3A_292] : memref<5x128x128xf32, #tpu.memory_space<vmem>> -> memref<1x128x128xf32, #tpu.memory_space<vmem>>
      %scatter3A_294 = tpu.memref_squeeze %scatter3A_293 : memref<1x128x128xf32, #tpu.memory_space<vmem>> -> memref<128x128xf32, #tpu.memory_space<vmem>>
      tpu.vector_store_idx %scatter3A_294[%add3A_286, %get3A_289], %broadcast_in_dim3A_5 : memref<128x128xf32, #tpu.memory_space<vmem>>[vector<16xi32>, vector<16xi32>], vector<16xf32>,
      %add3A_295 = arith.constant 80 : i32
      %add3A_296 = vector.broadcast %add3A_295 : i32 to vector<16xi32>
      %add3A_297 = arith.addi %iota3A, %add3A_296 : vector<16xi32>
      %get3A_298 = arith.index_cast %add3A_234 : i32 to index
      %get3A_299 = arith.constant 80 : index
      %get3A_300 = tpu.vector_load %arg5[%get3A_298, %get3A_299] {strides = array<i32>} : memref<200x128xi32, #tpu.memory_space<vmem>>, vector<16xi32>,
      %scatter3A_301 = arith.constant 1 : i32
      %scatter3A_302 = arith.constant 0 : i32
      %scatter3A_303 = arith.constant 0 : i32
      %scatter3A_304 = tpu.memref_slice %arg6[%scatter3A_301, %scatter3A_302, %scatter3A_303] : memref<5x128x128xf32, #tpu.memory_space<vmem>> -> memref<1x128x128xf32, #tpu.memory_space<vmem>>
      %scatter3A_305 = tpu.memref_squeeze %scatter3A_304 : memref<1x128x128xf32, #tpu.memory_space<vmem>> -> memref<128x128xf32, #tpu.memory_space<vmem>>
      tpu.vector_store_idx %scatter3A_305[%add3A_297, %get3A_300], %broadcast_in_dim3A_5 : memref<128x128xf32, #tpu.memory_space<vmem>>[vector<16xi32>, vector<16xi32>], vector<16xf32>,
      %add3A_306 = arith.constant 96 : i32
      %add3A_307 = vector.broadcast %add3A_306 : i32 to vector<16xi32>
      %add3A_308 = arith.addi %iota3A, %add3A_307 : vector<16xi32>
      %get3A_309 = arith.index_cast %add3A_234 : i32 to index
      %get3A_310 = arith.constant 96 : index
      %get3A_311 = tpu.vector_load %arg5[%get3A_309, %get3A_310] {strides = array<i32>} : memref<200x128xi32, #tpu.memory_space<vmem>>, vector<16xi32>,
      %scatter3A_312 = arith.constant 1 : i32
      %scatter3A_313 = arith.constant 0 : i32
      %scatter3A_314 = arith.constant 0 : i32
      %scatter3A_315 = tpu.memref_slice %arg6[%scatter3A_312, %scatter3A_313, %scatter3A_314] : memref<5x128x128xf32, #tpu.memory_space<vmem>> -> memref<1x128x128xf32, #tpu.memory_space<vmem>>
      %scatter3A_316 = tpu.memref_squeeze %scatter3A_315 : memref<1x128x128xf32, #tpu.memory_space<vmem>> -> memref<128x128xf32, #tpu.memory_space<vmem>>
      tpu.vector_store_idx %scatter3A_316[%add3A_308, %get3A_311], %broadcast_in_dim3A_5 : memref<128x128xf32, #tpu.memory_space<vmem>>[vector<16xi32>, vector<16xi32>], vector<16xf32>,
      %add3A_317 = arith.constant 112 : i32
      %add3A_318 = vector.broadcast %add3A_317 : i32 to vector<16xi32>
      %add3A_319 = arith.addi %iota3A, %add3A_318 : vector<16xi32>
      %get3A_320 = arith.index_cast %add3A_234 : i32 to index
      %get3A_321 = arith.constant 112 : index
      %get3A_322 = tpu.vector_load %arg5[%get3A_320, %get3A_321] {strides = array<i32>} : memref<200x128xi32, #tpu.memory_space<vmem>>, vector<16xi32>,
      %scatter3A_323 = arith.constant 1 : i32
      %scatter3A_324 = arith.constant 0 : i32
      %scatter3A_325 = arith.constant 0 : i32
      %scatter3A_326 = tpu.memref_slice %arg6[%scatter3A_323, %scatter3A_324, %scatter3A_325] : memref<5x128x128xf32, #tpu.memory_space<vmem>> -> memref<1x128x128xf32, #tpu.memory_space<vmem>>
      %scatter3A_327 = tpu.memref_squeeze %scatter3A_326 : memref<1x128x128xf32, #tpu.memory_space<vmem>> -> memref<128x128xf32, #tpu.memory_space<vmem>>
      tpu.vector_store_idx %scatter3A_327[%add3A_319, %get3A_322], %broadcast_in_dim3A_5 : memref<128x128xf32, #tpu.memory_space<vmem>>[vector<16xi32>, vector<16xi32>], vector<16xf32>,
      %mul3A_328 = arith.constant 128 : i32
      %mul3A_329 = arith.muli %add3A_234, %mul3A_328 : i32
      %add3A_330 = arith.addi %mul3A_2, %mul3A_329 : i32
      %dma_start3A_331 = arith.constant 1 : i32
      %dma_start3A_332 = arith.constant 1 : i32
      %dma_start3A_333 = arith.constant 0 : i32
      %dma_start3A_334 = arith.constant 0 : i32
      %dma_start3A_335 = tpu.memref_slice %arg6[%dma_start3A_331, %dma_start3A_333, %dma_start3A_334] : memref<5x128x128xf32, #tpu.memory_space<vmem>> -> memref<1x128x128xf32, #tpu.memory_space<vmem>>
      %dma_start3A_336 = tpu.memref_squeeze %dma_start3A_335 : memref<1x128x128xf32, #tpu.memory_space<vmem>> -> memref<128x128xf32, #tpu.memory_space<vmem>>
      %dma_start3A_337 = arith.constant 0 : i32
      %dma_start3A_338 = tpu.memref_slice %arg4[%add3A_330, %dma_start3A_337] : memref<819200x128xf32, #tpu.memory_space<hbm>> -> memref<128x128xf32, #tpu.memory_space<hbm>>
      %dma_start3A_339 = tpu.memref_slice %arg7[%dma_start3A_332] : memref<5x!tpu.dma_semaphore, #tpu.memory_space<semaphore_mem>> -> memref<1x!tpu.dma_semaphore, #tpu.memory_space<semaphore_mem>>
      %dma_start3A_340 = tpu.memref_squeeze %dma_start3A_339 : memref<1x!tpu.dma_semaphore, #tpu.memory_space<semaphore_mem>> -> memref<!tpu.dma_semaphore, #tpu.memory_space<semaphore_mem>>
      %dma_start3A_341 = arith.constant 0 : i32
      %dma_start3A_342 = tpu.memref_slice %arg4[%add3A_330, %dma_start3A_341] : memref<819200x128xf32, #tpu.memory_space<hbm>> -> memref<128x128xf32, #tpu.memory_space<hbm>>
      %dma_start3A_343 = arith.constant 0 : i32
      %dma_start3A_344 = arith.constant 0 : i32
      %dma_start3A_345 = tpu.memref_slice %arg6[%dma_start3A_331, %dma_start3A_343, %dma_start3A_344] : memref<5x128x128xf32, #tpu.memory_space<vmem>> -> memref<1x128x128xf32, #tpu.memory_space<vmem>>
      %dma_start3A_346 = tpu.memref_squeeze %dma_start3A_345 : memref<1x128x128xf32, #tpu.memory_space<vmem>> -> memref<128x128xf32, #tpu.memory_space<vmem>>
      tpu.enqueue_dma source(%dma_start3A_346 : memref<128x128xf32, #tpu.memory_space<vmem>>) target(%dma_start3A_342 : memref<128x128xf32, #tpu.memory_space<hbm>>) target_semaphore(%dma_start3A_340 : memref<!tpu.dma_semaphore, #tpu.memory_space<semaphore_mem>>)
      %mul3A_347 = arith.constant 5 : i32
      %mul3A_348 = arith.muli %add3A_120, %mul3A_347 : i32
      %add3A_349 = arith.constant 2 : i32
      %add3A_350 = arith.addi %mul3A_348, %add3A_349 : i32
      %gt3A_351 = arith.constant 0 : i32
      %gt3A_352 = arith.cmpi sgt, %add3A_120, %gt3A_351 : i32
      %convert_element_type3A_353 = arith.extui %gt3A_352 : i1 to i32
      %cond3A_354 = arith.constant 0 : i32
      %cond3A_355 = arith.cmpi ne, %convert_element_type3A_353, %cond3A_354 : i32
      scf.if %cond3A_355 {
        %dma_wait3A_695 = arith.constant 2 : i32
        %dma_wait3A_696 = arith.constant 2 : i32
        %dma_wait3A_697 = arith.constant 0 : i32
        %dma_wait3A_698 = arith.constant 0 : i32
        %dma_wait3A_699 = tpu.memref_slice %arg6[%dma_wait3A_695, %dma_wait3A_697, %dma_wait3A_698] : memref<5x128x128xf32, #tpu.memory_space<vmem>> -> memref<1x128x128xf32, #tpu.memory_space<vmem>>
        %dma_wait3A_700 = tpu.memref_squeeze %dma_wait3A_699 : memref<1x128x128xf32, #tpu.memory_space<vmem>> -> memref<128x128xf32, #tpu.memory_space<vmem>>
        %dma_wait3A_701 = arith.constant 0 : i32
        %dma_wait3A_702 = tpu.memref_slice %arg4[%mul3A_2, %dma_wait3A_701] : memref<819200x128xf32, #tpu.memory_space<hbm>> -> memref<128x128xf32, #tpu.memory_space<hbm>>
        %dma_wait3A_703 = tpu.memref_slice %arg7[%dma_wait3A_696] : memref<5x!tpu.dma_semaphore, #tpu.memory_space<semaphore_mem>> -> memref<1x!tpu.dma_semaphore, #tpu.memory_space<semaphore_mem>>
        %dma_wait3A_704 = tpu.memref_squeeze %dma_wait3A_703 : memref<1x!tpu.dma_semaphore, #tpu.memory_space<semaphore_mem>> -> memref<!tpu.dma_semaphore, #tpu.memory_space<semaphore_mem>>
        %dma_wait3A_705 = arith.constant 0 : i32
        %dma_wait3A_706 = tpu.memref_slice %arg4[%mul3A_2, %dma_wait3A_705] : memref<819200x128xf32, #tpu.memory_space<hbm>> -> memref<128x128xf32, #tpu.memory_space<hbm>>
        %dma_wait3A_707 = arith.constant 0 : i32
        %dma_wait3A_708 = arith.constant 0 : i32
        %dma_wait3A_709 = tpu.memref_slice %arg6[%dma_wait3A_695, %dma_wait3A_707, %dma_wait3A_708] : memref<5x128x128xf32, #tpu.memory_space<vmem>> -> memref<1x128x128xf32, #tpu.memory_space<vmem>>
        %dma_wait3A_710 = tpu.memref_squeeze %dma_wait3A_709 : memref<1x128x128xf32, #tpu.memory_space<vmem>> -> memref<128x128xf32, #tpu.memory_space<vmem>>
        tpu.wait_dma2 semaphore(%dma_wait3A_704 : memref<!tpu.dma_semaphore, #tpu.memory_space<semaphore_mem>>) src(%dma_wait3A_710 : memref<128x128xf32, #tpu.memory_space<vmem>>) dst(%dma_wait3A_706 : memref<128x128xf32, #tpu.memory_space<hbm>>)
        %sub3A = arith.constant 5 : i32
        %sub3A_711 = arith.subi %add3A_350, %sub3A : i32
        %add3A_712 = arith.constant 0 : i32
        %add3A_713 = vector.broadcast %add3A_712 : i32 to vector<16xi32>
        %add3A_714 = arith.addi %iota3A, %add3A_713 : vector<16xi32>
        %get3A_715 = arith.index_cast %sub3A_711 : i32 to index
        %get3A_716 = arith.constant 0 : index
        %get3A_717 = tpu.vector_load %arg5[%get3A_715, %get3A_716] {strides = array<i32>} : memref<200x128xi32, #tpu.memory_space<vmem>>, vector<16xi32>,
        %scatter3A_718 = arith.constant 2 : i32
        %scatter3A_719 = arith.constant 0 : i32
        %scatter3A_720 = arith.constant 0 : i32
        %scatter3A_721 = tpu.memref_slice %arg6[%scatter3A_718, %scatter3A_719, %scatter3A_720] : memref<5x128x128xf32, #tpu.memory_space<vmem>> -> memref<1x128x128xf32, #tpu.memory_space<vmem>>
        %scatter3A_722 = tpu.memref_squeeze %scatter3A_721 : memref<1x128x128xf32, #tpu.memory_space<vmem>> -> memref<128x128xf32, #tpu.memory_space<vmem>>
        tpu.vector_store_idx %scatter3A_722[%add3A_714, %get3A_717], %broadcast_in_dim3A_7 : memref<128x128xf32, #tpu.memory_space<vmem>>[vector<16xi32>, vector<16xi32>], vector<16xf32>,
        %add3A_723 = arith.constant 16 : i32
        %add3A_724 = vector.broadcast %add3A_723 : i32 to vector<16xi32>
        %add3A_725 = arith.addi %iota3A, %add3A_724 : vector<16xi32>
        %get3A_726 = arith.index_cast %sub3A_711 : i32 to index
        %get3A_727 = arith.constant 16 : index
        %get3A_728 = tpu.vector_load %arg5[%get3A_726, %get3A_727] {strides = array<i32>} : memref<200x128xi32, #tpu.memory_space<vmem>>, vector<16xi32>,
        %scatter3A_729 = arith.constant 2 : i32
        %scatter3A_730 = arith.constant 0 : i32
        %scatter3A_731 = arith.constant 0 : i32
        %scatter3A_732 = tpu.memref_slice %arg6[%scatter3A_729, %scatter3A_730, %scatter3A_731] : memref<5x128x128xf32, #tpu.memory_space<vmem>> -> memref<1x128x128xf32, #tpu.memory_space<vmem>>
        %scatter3A_733 = tpu.memref_squeeze %scatter3A_732 : memref<1x128x128xf32, #tpu.memory_space<vmem>> -> memref<128x128xf32, #tpu.memory_space<vmem>>
        tpu.vector_store_idx %scatter3A_733[%add3A_725, %get3A_728], %broadcast_in_dim3A_7 : memref<128x128xf32, #tpu.memory_space<vmem>>[vector<16xi32>, vector<16xi32>], vector<16xf32>,
        %add3A_734 = arith.constant 32 : i32
        %add3A_735 = vector.broadcast %add3A_734 : i32 to vector<16xi32>
        %add3A_736 = arith.addi %iota3A, %add3A_735 : vector<16xi32>
        %get3A_737 = arith.index_cast %sub3A_711 : i32 to index
        %get3A_738 = arith.constant 32 : index
        %get3A_739 = tpu.vector_load %arg5[%get3A_737, %get3A_738] {strides = array<i32>} : memref<200x128xi32, #tpu.memory_space<vmem>>, vector<16xi32>,
        %scatter3A_740 = arith.constant 2 : i32
        %scatter3A_741 = arith.constant 0 : i32
        %scatter3A_742 = arith.constant 0 : i32
        %scatter3A_743 = tpu.memref_slice %arg6[%scatter3A_740, %scatter3A_741, %scatter3A_742] : memref<5x128x128xf32, #tpu.memory_space<vmem>> -> memref<1x128x128xf32, #tpu.memory_space<vmem>>
        %scatter3A_744 = tpu.memref_squeeze %scatter3A_743 : memref<1x128x128xf32, #tpu.memory_space<vmem>> -> memref<128x128xf32, #tpu.memory_space<vmem>>
        tpu.vector_store_idx %scatter3A_744[%add3A_736, %get3A_739], %broadcast_in_dim3A_7 : memref<128x128xf32, #tpu.memory_space<vmem>>[vector<16xi32>, vector<16xi32>], vector<16xf32>,
        %add3A_745 = arith.constant 48 : i32
        %add3A_746 = vector.broadcast %add3A_745 : i32 to vector<16xi32>
        %add3A_747 = arith.addi %iota3A, %add3A_746 : vector<16xi32>
        %get3A_748 = arith.index_cast %sub3A_711 : i32 to index
        %get3A_749 = arith.constant 48 : index
        %get3A_750 = tpu.vector_load %arg5[%get3A_748, %get3A_749] {strides = array<i32>} : memref<200x128xi32, #tpu.memory_space<vmem>>, vector<16xi32>,
        %scatter3A_751 = arith.constant 2 : i32
        %scatter3A_752 = arith.constant 0 : i32
        %scatter3A_753 = arith.constant 0 : i32
        %scatter3A_754 = tpu.memref_slice %arg6[%scatter3A_751, %scatter3A_752, %scatter3A_753] : memref<5x128x128xf32, #tpu.memory_space<vmem>> -> memref<1x128x128xf32, #tpu.memory_space<vmem>>
        %scatter3A_755 = tpu.memref_squeeze %scatter3A_754 : memref<1x128x128xf32, #tpu.memory_space<vmem>> -> memref<128x128xf32, #tpu.memory_space<vmem>>
        tpu.vector_store_idx %scatter3A_755[%add3A_747, %get3A_750], %broadcast_in_dim3A_7 : memref<128x128xf32, #tpu.memory_space<vmem>>[vector<16xi32>, vector<16xi32>], vector<16xf32>,
        %add3A_756 = arith.constant 64 : i32
        %add3A_757 = vector.broadcast %add3A_756 : i32 to vector<16xi32>
        %add3A_758 = arith.addi %iota3A, %add3A_757 : vector<16xi32>
        %get3A_759 = arith.index_cast %sub3A_711 : i32 to index
        %get3A_760 = arith.constant 64 : index
        %get3A_761 = tpu.vector_load %arg5[%get3A_759, %get3A_760] {strides = array<i32>} : memref<200x128xi32, #tpu.memory_space<vmem>>, vector<16xi32>,
        %scatter3A_762 = arith.constant 2 : i32
        %scatter3A_763 = arith.constant 0 : i32
        %scatter3A_764 = arith.constant 0 : i32
        %scatter3A_765 = tpu.memref_slice %arg6[%scatter3A_762, %scatter3A_763, %scatter3A_764] : memref<5x128x128xf32, #tpu.memory_space<vmem>> -> memref<1x128x128xf32, #tpu.memory_space<vmem>>
        %scatter3A_766 = tpu.memref_squeeze %scatter3A_765 : memref<1x128x128xf32, #tpu.memory_space<vmem>> -> memref<128x128xf32, #tpu.memory_space<vmem>>
        tpu.vector_store_idx %scatter3A_766[%add3A_758, %get3A_761], %broadcast_in_dim3A_7 : memref<128x128xf32, #tpu.memory_space<vmem>>[vector<16xi32>, vector<16xi32>], vector<16xf32>,
        %add3A_767 = arith.constant 80 : i32
        %add3A_768 = vector.broadcast %add3A_767 : i32 to vector<16xi32>
        %add3A_769 = arith.addi %iota3A, %add3A_768 : vector<16xi32>
        %get3A_770 = arith.index_cast %sub3A_711 : i32 to index
        %get3A_771 = arith.constant 80 : index
        %get3A_772 = tpu.vector_load %arg5[%get3A_770, %get3A_771] {strides = array<i32>} : memref<200x128xi32, #tpu.memory_space<vmem>>, vector<16xi32>,
        %scatter3A_773 = arith.constant 2 : i32
        %scatter3A_774 = arith.constant 0 : i32
        %scatter3A_775 = arith.constant 0 : i32
        %scatter3A_776 = tpu.memref_slice %arg6[%scatter3A_773, %scatter3A_774, %scatter3A_775] : memref<5x128x128xf32, #tpu.memory_space<vmem>> -> memref<1x128x128xf32, #tpu.memory_space<vmem>>
        %scatter3A_777 = tpu.memref_squeeze %scatter3A_776 : memref<1x128x128xf32, #tpu.memory_space<vmem>> -> memref<128x128xf32, #tpu.memory_space<vmem>>
        tpu.vector_store_idx %scatter3A_777[%add3A_769, %get3A_772], %broadcast_in_dim3A_7 : memref<128x128xf32, #tpu.memory_space<vmem>>[vector<16xi32>, vector<16xi32>], vector<16xf32>,
        %add3A_778 = arith.constant 96 : i32
        %add3A_779 = vector.broadcast %add3A_778 : i32 to vector<16xi32>
        %add3A_780 = arith.addi %iota3A, %add3A_779 : vector<16xi32>
        %get3A_781 = arith.index_cast %sub3A_711 : i32 to index
        %get3A_782 = arith.constant 96 : index
        %get3A_783 = tpu.vector_load %arg5[%get3A_781, %get3A_782] {strides = array<i32>} : memref<200x128xi32, #tpu.memory_space<vmem>>, vector<16xi32>,
        %scatter3A_784 = arith.constant 2 : i32
        %scatter3A_785 = arith.constant 0 : i32
        %scatter3A_786 = arith.constant 0 : i32
        %scatter3A_787 = tpu.memref_slice %arg6[%scatter3A_784, %scatter3A_785, %scatter3A_786] : memref<5x128x128xf32, #tpu.memory_space<vmem>> -> memref<1x128x128xf32, #tpu.memory_space<vmem>>
        %scatter3A_788 = tpu.memref_squeeze %scatter3A_787 : memref<1x128x128xf32, #tpu.memory_space<vmem>> -> memref<128x128xf32, #tpu.memory_space<vmem>>
        tpu.vector_store_idx %scatter3A_788[%add3A_780, %get3A_783], %broadcast_in_dim3A_7 : memref<128x128xf32, #tpu.memory_space<vmem>>[vector<16xi32>, vector<16xi32>], vector<16xf32>,
        %add3A_789 = arith.constant 112 : i32
        %add3A_790 = vector.broadcast %add3A_789 : i32 to vector<16xi32>
        %add3A_791 = arith.addi %iota3A, %add3A_790 : vector<16xi32>
        %get3A_792 = arith.index_cast %sub3A_711 : i32 to index
        %get3A_793 = arith.constant 112 : index
        %get3A_794 = tpu.vector_load %arg5[%get3A_792, %get3A_793] {strides = array<i32>} : memref<200x128xi32, #tpu.memory_space<vmem>>, vector<16xi32>,
        %scatter3A_795 = arith.constant 2 : i32
        %scatter3A_796 = arith.constant 0 : i32
        %scatter3A_797 = arith.constant 0 : i32
        %scatter3A_798 = tpu.memref_slice %arg6[%scatter3A_795, %scatter3A_796, %scatter3A_797] : memref<5x128x128xf32, #tpu.memory_space<vmem>> -> memref<1x128x128xf32, #tpu.memory_space<vmem>>
        %scatter3A_799 = tpu.memref_squeeze %scatter3A_798 : memref<1x128x128xf32, #tpu.memory_space<vmem>> -> memref<128x128xf32, #tpu.memory_space<vmem>>
        tpu.vector_store_idx %scatter3A_799[%add3A_791, %get3A_794], %broadcast_in_dim3A_7 : memref<128x128xf32, #tpu.memory_space<vmem>>[vector<16xi32>, vector<16xi32>], vector<16xf32>,
      } else {
      }
      %add3A_356 = arith.constant 0 : i32
      %add3A_357 = vector.broadcast %add3A_356 : i32 to vector<16xi32>
      %add3A_358 = arith.addi %iota3A, %add3A_357 : vector<16xi32>
      %get3A_359 = arith.index_cast %add3A_350 : i32 to index
      %get3A_360 = arith.constant 0 : index
      %get3A_361 = tpu.vector_load %arg5[%get3A_359, %get3A_360] {strides = array<i32>} : memref<200x128xi32, #tpu.memory_space<vmem>>, vector<16xi32>,
      %scatter3A_362 = arith.constant 2 : i32
      %scatter3A_363 = arith.constant 0 : i32
      %scatter3A_364 = arith.constant 0 : i32
      %scatter3A_365 = tpu.memref_slice %arg6[%scatter3A_362, %scatter3A_363, %scatter3A_364] : memref<5x128x128xf32, #tpu.memory_space<vmem>> -> memref<1x128x128xf32, #tpu.memory_space<vmem>>
      %scatter3A_366 = tpu.memref_squeeze %scatter3A_365 : memref<1x128x128xf32, #tpu.memory_space<vmem>> -> memref<128x128xf32, #tpu.memory_space<vmem>>
      tpu.vector_store_idx %scatter3A_366[%add3A_358, %get3A_361], %broadcast_in_dim3A_5 : memref<128x128xf32, #tpu.memory_space<vmem>>[vector<16xi32>, vector<16xi32>], vector<16xf32>,
      %add3A_367 = arith.constant 16 : i32
      %add3A_368 = vector.broadcast %add3A_367 : i32 to vector<16xi32>
      %add3A_369 = arith.addi %iota3A, %add3A_368 : vector<16xi32>
      %get3A_370 = arith.index_cast %add3A_350 : i32 to index
      %get3A_371 = arith.constant 16 : index
      %get3A_372 = tpu.vector_load %arg5[%get3A_370, %get3A_371] {strides = array<i32>} : memref<200x128xi32, #tpu.memory_space<vmem>>, vector<16xi32>,
      %scatter3A_373 = arith.constant 2 : i32
      %scatter3A_374 = arith.constant 0 : i32
      %scatter3A_375 = arith.constant 0 : i32
      %scatter3A_376 = tpu.memref_slice %arg6[%scatter3A_373, %scatter3A_374, %scatter3A_375] : memref<5x128x128xf32, #tpu.memory_space<vmem>> -> memref<1x128x128xf32, #tpu.memory_space<vmem>>
      %scatter3A_377 = tpu.memref_squeeze %scatter3A_376 : memref<1x128x128xf32, #tpu.memory_space<vmem>> -> memref<128x128xf32, #tpu.memory_space<vmem>>
      tpu.vector_store_idx %scatter3A_377[%add3A_369, %get3A_372], %broadcast_in_dim3A_5 : memref<128x128xf32, #tpu.memory_space<vmem>>[vector<16xi32>, vector<16xi32>], vector<16xf32>,
      %add3A_378 = arith.constant 32 : i32
      %add3A_379 = vector.broadcast %add3A_378 : i32 to vector<16xi32>
      %add3A_380 = arith.addi %iota3A, %add3A_379 : vector<16xi32>
      %get3A_381 = arith.index_cast %add3A_350 : i32 to index
      %get3A_382 = arith.constant 32 : index
      %get3A_383 = tpu.vector_load %arg5[%get3A_381, %get3A_382] {strides = array<i32>} : memref<200x128xi32, #tpu.memory_space<vmem>>, vector<16xi32>,
      %scatter3A_384 = arith.constant 2 : i32
      %scatter3A_385 = arith.constant 0 : i32
      %scatter3A_386 = arith.constant 0 : i32
      %scatter3A_387 = tpu.memref_slice %arg6[%scatter3A_384, %scatter3A_385, %scatter3A_386] : memref<5x128x128xf32, #tpu.memory_space<vmem>> -> memref<1x128x128xf32, #tpu.memory_space<vmem>>
      %scatter3A_388 = tpu.memref_squeeze %scatter3A_387 : memref<1x128x128xf32, #tpu.memory_space<vmem>> -> memref<128x128xf32, #tpu.memory_space<vmem>>
      tpu.vector_store_idx %scatter3A_388[%add3A_380, %get3A_383], %broadcast_in_dim3A_5 : memref<128x128xf32, #tpu.memory_space<vmem>>[vector<16xi32>, vector<16xi32>], vector<16xf32>,
      %add3A_389 = arith.constant 48 : i32
      %add3A_390 = vector.broadcast %add3A_389 : i32 to vector<16xi32>
      %add3A_391 = arith.addi %iota3A, %add3A_390 : vector<16xi32>
      %get3A_392 = arith.index_cast %add3A_350 : i32 to index
      %get3A_393 = arith.constant 48 : index
      %get3A_394 = tpu.vector_load %arg5[%get3A_392, %get3A_393] {strides = array<i32>} : memref<200x128xi32, #tpu.memory_space<vmem>>, vector<16xi32>,
      %scatter3A_395 = arith.constant 2 : i32
      %scatter3A_396 = arith.constant 0 : i32
      %scatter3A_397 = arith.constant 0 : i32
      %scatter3A_398 = tpu.memref_slice %arg6[%scatter3A_395, %scatter3A_396, %scatter3A_397] : memref<5x128x128xf32, #tpu.memory_space<vmem>> -> memref<1x128x128xf32, #tpu.memory_space<vmem>>
      %scatter3A_399 = tpu.memref_squeeze %scatter3A_398 : memref<1x128x128xf32, #tpu.memory_space<vmem>> -> memref<128x128xf32, #tpu.memory_space<vmem>>
      tpu.vector_store_idx %scatter3A_399[%add3A_391, %get3A_394], %broadcast_in_dim3A_5 : memref<128x128xf32, #tpu.memory_space<vmem>>[vector<16xi32>, vector<16xi32>], vector<16xf32>,
      %add3A_400 = arith.constant 64 : i32
      %add3A_401 = vector.broadcast %add3A_400 : i32 to vector<16xi32>
      %add3A_402 = arith.addi %iota3A, %add3A_401 : vector<16xi32>
      %get3A_403 = arith.index_cast %add3A_350 : i32 to index
      %get3A_404 = arith.constant 64 : index
      %get3A_405 = tpu.vector_load %arg5[%get3A_403, %get3A_404] {strides = array<i32>} : memref<200x128xi32, #tpu.memory_space<vmem>>, vector<16xi32>,
      %scatter3A_406 = arith.constant 2 : i32
      %scatter3A_407 = arith.constant 0 : i32
      %scatter3A_408 = arith.constant 0 : i32
      %scatter3A_409 = tpu.memref_slice %arg6[%scatter3A_406, %scatter3A_407, %scatter3A_408] : memref<5x128x128xf32, #tpu.memory_space<vmem>> -> memref<1x128x128xf32, #tpu.memory_space<vmem>>
      %scatter3A_410 = tpu.memref_squeeze %scatter3A_409 : memref<1x128x128xf32, #tpu.memory_space<vmem>> -> memref<128x128xf32, #tpu.memory_space<vmem>>
      tpu.vector_store_idx %scatter3A_410[%add3A_402, %get3A_405], %broadcast_in_dim3A_5 : memref<128x128xf32, #tpu.memory_space<vmem>>[vector<16xi32>, vector<16xi32>], vector<16xf32>,
      %add3A_411 = arith.constant 80 : i32
      %add3A_412 = vector.broadcast %add3A_411 : i32 to vector<16xi32>
      %add3A_413 = arith.addi %iota3A, %add3A_412 : vector<16xi32>
      %get3A_414 = arith.index_cast %add3A_350 : i32 to index
      %get3A_415 = arith.constant 80 : index
      %get3A_416 = tpu.vector_load %arg5[%get3A_414, %get3A_415] {strides = array<i32>} : memref<200x128xi32, #tpu.memory_space<vmem>>, vector<16xi32>,
      %scatter3A_417 = arith.constant 2 : i32
      %scatter3A_418 = arith.constant 0 : i32
      %scatter3A_419 = arith.constant 0 : i32
      %scatter3A_420 = tpu.memref_slice %arg6[%scatter3A_417, %scatter3A_418, %scatter3A_419] : memref<5x128x128xf32, #tpu.memory_space<vmem>> -> memref<1x128x128xf32, #tpu.memory_space<vmem>>
      %scatter3A_421 = tpu.memref_squeeze %scatter3A_420 : memref<1x128x128xf32, #tpu.memory_space<vmem>> -> memref<128x128xf32, #tpu.memory_space<vmem>>
      tpu.vector_store_idx %scatter3A_421[%add3A_413, %get3A_416], %broadcast_in_dim3A_5 : memref<128x128xf32, #tpu.memory_space<vmem>>[vector<16xi32>, vector<16xi32>], vector<16xf32>,
      %add3A_422 = arith.constant 96 : i32
      %add3A_423 = vector.broadcast %add3A_422 : i32 to vector<16xi32>
      %add3A_424 = arith.addi %iota3A, %add3A_423 : vector<16xi32>
      %get3A_425 = arith.index_cast %add3A_350 : i32 to index
      %get3A_426 = arith.constant 96 : index
      %get3A_427 = tpu.vector_load %arg5[%get3A_425, %get3A_426] {strides = array<i32>} : memref<200x128xi32, #tpu.memory_space<vmem>>, vector<16xi32>,
      %scatter3A_428 = arith.constant 2 : i32
      %scatter3A_429 = arith.constant 0 : i32
      %scatter3A_430 = arith.constant 0 : i32
      %scatter3A_431 = tpu.memref_slice %arg6[%scatter3A_428, %scatter3A_429, %scatter3A_430] : memref<5x128x128xf32, #tpu.memory_space<vmem>> -> memref<1x128x128xf32, #tpu.memory_space<vmem>>
      %scatter3A_432 = tpu.memref_squeeze %scatter3A_431 : memref<1x128x128xf32, #tpu.memory_space<vmem>> -> memref<128x128xf32, #tpu.memory_space<vmem>>
      tpu.vector_store_idx %scatter3A_432[%add3A_424, %get3A_427], %broadcast_in_dim3A_5 : memref<128x128xf32, #tpu.memory_space<vmem>>[vector<16xi32>, vector<16xi32>], vector<16xf32>,
      %add3A_433 = arith.constant 112 : i32
      %add3A_434 = vector.broadcast %add3A_433 : i32 to vector<16xi32>
      %add3A_435 = arith.addi %iota3A, %add3A_434 : vector<16xi32>
      %get3A_436 = arith.index_cast %add3A_350 : i32 to index
      %get3A_437 = arith.constant 112 : index
      %get3A_438 = tpu.vector_load %arg5[%get3A_436, %get3A_437] {strides = array<i32>} : memref<200x128xi32, #tpu.memory_space<vmem>>, vector<16xi32>,
      %scatter3A_439 = arith.constant 2 : i32
      %scatter3A_440 = arith.constant 0 : i32
      %scatter3A_441 = arith.constant 0 : i32
      %scatter3A_442 = tpu.memref_slice %arg6[%scatter3A_439, %scatter3A_440, %scatter3A_441] : memref<5x128x128xf32, #tpu.memory_space<vmem>> -> memref<1x128x128xf32, #tpu.memory_space<vmem>>
      %scatter3A_443 = tpu.memref_squeeze %scatter3A_442 : memref<1x128x128xf32, #tpu.memory_space<vmem>> -> memref<128x128xf32, #tpu.memory_space<vmem>>
      tpu.vector_store_idx %scatter3A_443[%add3A_435, %get3A_438], %broadcast_in_dim3A_5 : memref<128x128xf32, #tpu.memory_space<vmem>>[vector<16xi32>, vector<16xi32>], vector<16xf32>,
      %mul3A_444 = arith.constant 128 : i32
      %mul3A_445 = arith.muli %add3A_350, %mul3A_444 : i32
      %add3A_446 = arith.addi %mul3A_2, %mul3A_445 : i32
      %dma_start3A_447 = arith.constant 2 : i32
      %dma_start3A_448 = arith.constant 2 : i32
      %dma_start3A_449 = arith.constant 0 : i32
      %dma_start3A_450 = arith.constant 0 : i32
      %dma_start3A_451 = tpu.memref_slice %arg6[%dma_start3A_447, %dma_start3A_449, %dma_start3A_450] : memref<5x128x128xf32, #tpu.memory_space<vmem>> -> memref<1x128x128xf32, #tpu.memory_space<vmem>>
      %dma_start3A_452 = tpu.memref_squeeze %dma_start3A_451 : memref<1x128x128xf32, #tpu.memory_space<vmem>> -> memref<128x128xf32, #tpu.memory_space<vmem>>
      %dma_start3A_453 = arith.constant 0 : i32
      %dma_start3A_454 = tpu.memref_slice %arg4[%add3A_446, %dma_start3A_453] : memref<819200x128xf32, #tpu.memory_space<hbm>> -> memref<128x128xf32, #tpu.memory_space<hbm>>
      %dma_start3A_455 = tpu.memref_slice %arg7[%dma_start3A_448] : memref<5x!tpu.dma_semaphore, #tpu.memory_space<semaphore_mem>> -> memref<1x!tpu.dma_semaphore, #tpu.memory_space<semaphore_mem>>
      %dma_start3A_456 = tpu.memref_squeeze %dma_start3A_455 : memref<1x!tpu.dma_semaphore, #tpu.memory_space<semaphore_mem>> -> memref<!tpu.dma_semaphore, #tpu.memory_space<semaphore_mem>>
      %dma_start3A_457 = arith.constant 0 : i32
      %dma_start3A_458 = tpu.memref_slice %arg4[%add3A_446, %dma_start3A_457] : memref<819200x128xf32, #tpu.memory_space<hbm>> -> memref<128x128xf32, #tpu.memory_space<hbm>>
      %dma_start3A_459 = arith.constant 0 : i32
      %dma_start3A_460 = arith.constant 0 : i32
      %dma_start3A_461 = tpu.memref_slice %arg6[%dma_start3A_447, %dma_start3A_459, %dma_start3A_460] : memref<5x128x128xf32, #tpu.memory_space<vmem>> -> memref<1x128x128xf32, #tpu.memory_space<vmem>>
      %dma_start3A_462 = tpu.memref_squeeze %dma_start3A_461 : memref<1x128x128xf32, #tpu.memory_space<vmem>> -> memref<128x128xf32, #tpu.memory_space<vmem>>
      tpu.enqueue_dma source(%dma_start3A_462 : memref<128x128xf32, #tpu.memory_space<vmem>>) target(%dma_start3A_458 : memref<128x128xf32, #tpu.memory_space<hbm>>) target_semaphore(%dma_start3A_456 : memref<!tpu.dma_semaphore, #tpu.memory_space<semaphore_mem>>)
      %mul3A_463 = arith.constant 5 : i32
      %mul3A_464 = arith.muli %add3A_120, %mul3A_463 : i32
      %add3A_465 = arith.constant 3 : i32
      %add3A_466 = arith.addi %mul3A_464, %add3A_465 : i32
      %gt3A_467 = arith.constant 0 : i32
      %gt3A_468 = arith.cmpi sgt, %add3A_120, %gt3A_467 : i32
      %convert_element_type3A_469 = arith.extui %gt3A_468 : i1 to i32
      %cond3A_470 = arith.constant 0 : i32
      %cond3A_471 = arith.cmpi ne, %convert_element_type3A_469, %cond3A_470 : i32
      scf.if %cond3A_471 {
        %dma_wait3A_695 = arith.constant 3 : i32
        %dma_wait3A_696 = arith.constant 3 : i32
        %dma_wait3A_697 = arith.constant 0 : i32
        %dma_wait3A_698 = arith.constant 0 : i32
        %dma_wait3A_699 = tpu.memref_slice %arg6[%dma_wait3A_695, %dma_wait3A_697, %dma_wait3A_698] : memref<5x128x128xf32, #tpu.memory_space<vmem>> -> memref<1x128x128xf32, #tpu.memory_space<vmem>>
        %dma_wait3A_700 = tpu.memref_squeeze %dma_wait3A_699 : memref<1x128x128xf32, #tpu.memory_space<vmem>> -> memref<128x128xf32, #tpu.memory_space<vmem>>
        %dma_wait3A_701 = arith.constant 0 : i32
        %dma_wait3A_702 = tpu.memref_slice %arg4[%mul3A_2, %dma_wait3A_701] : memref<819200x128xf32, #tpu.memory_space<hbm>> -> memref<128x128xf32, #tpu.memory_space<hbm>>
        %dma_wait3A_703 = tpu.memref_slice %arg7[%dma_wait3A_696] : memref<5x!tpu.dma_semaphore, #tpu.memory_space<semaphore_mem>> -> memref<1x!tpu.dma_semaphore, #tpu.memory_space<semaphore_mem>>
        %dma_wait3A_704 = tpu.memref_squeeze %dma_wait3A_703 : memref<1x!tpu.dma_semaphore, #tpu.memory_space<semaphore_mem>> -> memref<!tpu.dma_semaphore, #tpu.memory_space<semaphore_mem>>
        %dma_wait3A_705 = arith.constant 0 : i32
        %dma_wait3A_706 = tpu.memref_slice %arg4[%mul3A_2, %dma_wait3A_705] : memref<819200x128xf32, #tpu.memory_space<hbm>> -> memref<128x128xf32, #tpu.memory_space<hbm>>
        %dma_wait3A_707 = arith.constant 0 : i32
        %dma_wait3A_708 = arith.constant 0 : i32
        %dma_wait3A_709 = tpu.memref_slice %arg6[%dma_wait3A_695, %dma_wait3A_707, %dma_wait3A_708] : memref<5x128x128xf32, #tpu.memory_space<vmem>> -> memref<1x128x128xf32, #tpu.memory_space<vmem>>
        %dma_wait3A_710 = tpu.memref_squeeze %dma_wait3A_709 : memref<1x128x128xf32, #tpu.memory_space<vmem>> -> memref<128x128xf32, #tpu.memory_space<vmem>>
        tpu.wait_dma2 semaphore(%dma_wait3A_704 : memref<!tpu.dma_semaphore, #tpu.memory_space<semaphore_mem>>) src(%dma_wait3A_710 : memref<128x128xf32, #tpu.memory_space<vmem>>) dst(%dma_wait3A_706 : memref<128x128xf32, #tpu.memory_space<hbm>>)
        %sub3A = arith.constant 5 : i32
        %sub3A_711 = arith.subi %add3A_466, %sub3A : i32
        %add3A_712 = arith.constant 0 : i32
        %add3A_713 = vector.broadcast %add3A_712 : i32 to vector<16xi32>
        %add3A_714 = arith.addi %iota3A, %add3A_713 : vector<16xi32>
        %get3A_715 = arith.index_cast %sub3A_711 : i32 to index
        %get3A_716 = arith.constant 0 : index
        %get3A_717 = tpu.vector_load %arg5[%get3A_715, %get3A_716] {strides = array<i32>} : memref<200x128xi32, #tpu.memory_space<vmem>>, vector<16xi32>,
        %scatter3A_718 = arith.constant 3 : i32
        %scatter3A_719 = arith.constant 0 : i32
        %scatter3A_720 = arith.constant 0 : i32
        %scatter3A_721 = tpu.memref_slice %arg6[%scatter3A_718, %scatter3A_719, %scatter3A_720] : memref<5x128x128xf32, #tpu.memory_space<vmem>> -> memref<1x128x128xf32, #tpu.memory_space<vmem>>
        %scatter3A_722 = tpu.memref_squeeze %scatter3A_721 : memref<1x128x128xf32, #tpu.memory_space<vmem>> -> memref<128x128xf32, #tpu.memory_space<vmem>>
        tpu.vector_store_idx %scatter3A_722[%add3A_714, %get3A_717], %broadcast_in_dim3A_7 : memref<128x128xf32, #tpu.memory_space<vmem>>[vector<16xi32>, vector<16xi32>], vector<16xf32>,
        %add3A_723 = arith.constant 16 : i32
        %add3A_724 = vector.broadcast %add3A_723 : i32 to vector<16xi32>
        %add3A_725 = arith.addi %iota3A, %add3A_724 : vector<16xi32>
        %get3A_726 = arith.index_cast %sub3A_711 : i32 to index
        %get3A_727 = arith.constant 16 : index
        %get3A_728 = tpu.vector_load %arg5[%get3A_726, %get3A_727] {strides = array<i32>} : memref<200x128xi32, #tpu.memory_space<vmem>>, vector<16xi32>,
        %scatter3A_729 = arith.constant 3 : i32
        %scatter3A_730 = arith.constant 0 : i32
        %scatter3A_731 = arith.constant 0 : i32
        %scatter3A_732 = tpu.memref_slice %arg6[%scatter3A_729, %scatter3A_730, %scatter3A_731] : memref<5x128x128xf32, #tpu.memory_space<vmem>> -> memref<1x128x128xf32, #tpu.memory_space<vmem>>
        %scatter3A_733 = tpu.memref_squeeze %scatter3A_732 : memref<1x128x128xf32, #tpu.memory_space<vmem>> -> memref<128x128xf32, #tpu.memory_space<vmem>>
        tpu.vector_store_idx %scatter3A_733[%add3A_725, %get3A_728], %broadcast_in_dim3A_7 : memref<128x128xf32, #tpu.memory_space<vmem>>[vector<16xi32>, vector<16xi32>], vector<16xf32>,
        %add3A_734 = arith.constant 32 : i32
        %add3A_735 = vector.broadcast %add3A_734 : i32 to vector<16xi32>
        %add3A_736 = arith.addi %iota3A, %add3A_735 : vector<16xi32>
        %get3A_737 = arith.index_cast %sub3A_711 : i32 to index
        %get3A_738 = arith.constant 32 : index
        %get3A_739 = tpu.vector_load %arg5[%get3A_737, %get3A_738] {strides = array<i32>} : memref<200x128xi32, #tpu.memory_space<vmem>>, vector<16xi32>,
        %scatter3A_740 = arith.constant 3 : i32
        %scatter3A_741 = arith.constant 0 : i32
        %scatter3A_742 = arith.constant 0 : i32
        %scatter3A_743 = tpu.memref_slice %arg6[%scatter3A_740, %scatter3A_741, %scatter3A_742] : memref<5x128x128xf32, #tpu.memory_space<vmem>> -> memref<1x128x128xf32, #tpu.memory_space<vmem>>
        %scatter3A_744 = tpu.memref_squeeze %scatter3A_743 : memref<1x128x128xf32, #tpu.memory_space<vmem>> -> memref<128x128xf32, #tpu.memory_space<vmem>>
        tpu.vector_store_idx %scatter3A_744[%add3A_736, %get3A_739], %broadcast_in_dim3A_7 : memref<128x128xf32, #tpu.memory_space<vmem>>[vector<16xi32>, vector<16xi32>], vector<16xf32>,
        %add3A_745 = arith.constant 48 : i32
        %add3A_746 = vector.broadcast %add3A_745 : i32 to vector<16xi32>
        %add3A_747 = arith.addi %iota3A, %add3A_746 : vector<16xi32>
        %get3A_748 = arith.index_cast %sub3A_711 : i32 to index
        %get3A_749 = arith.constant 48 : index
        %get3A_750 = tpu.vector_load %arg5[%get3A_748, %get3A_749] {strides = array<i32>} : memref<200x128xi32, #tpu.memory_space<vmem>>, vector<16xi32>,
        %scatter3A_751 = arith.constant 3 : i32
        %scatter3A_752 = arith.constant 0 : i32
        %scatter3A_753 = arith.constant 0 : i32
        %scatter3A_754 = tpu.memref_slice %arg6[%scatter3A_751, %scatter3A_752, %scatter3A_753] : memref<5x128x128xf32, #tpu.memory_space<vmem>> -> memref<1x128x128xf32, #tpu.memory_space<vmem>>
        %scatter3A_755 = tpu.memref_squeeze %scatter3A_754 : memref<1x128x128xf32, #tpu.memory_space<vmem>> -> memref<128x128xf32, #tpu.memory_space<vmem>>
        tpu.vector_store_idx %scatter3A_755[%add3A_747, %get3A_750], %broadcast_in_dim3A_7 : memref<128x128xf32, #tpu.memory_space<vmem>>[vector<16xi32>, vector<16xi32>], vector<16xf32>,
        %add3A_756 = arith.constant 64 : i32
        %add3A_757 = vector.broadcast %add3A_756 : i32 to vector<16xi32>
        %add3A_758 = arith.addi %iota3A, %add3A_757 : vector<16xi32>
        %get3A_759 = arith.index_cast %sub3A_711 : i32 to index
        %get3A_760 = arith.constant 64 : index
        %get3A_761 = tpu.vector_load %arg5[%get3A_759, %get3A_760] {strides = array<i32>} : memref<200x128xi32, #tpu.memory_space<vmem>>, vector<16xi32>,
        %scatter3A_762 = arith.constant 3 : i32
        %scatter3A_763 = arith.constant 0 : i32
        %scatter3A_764 = arith.constant 0 : i32
        %scatter3A_765 = tpu.memref_slice %arg6[%scatter3A_762, %scatter3A_763, %scatter3A_764] : memref<5x128x128xf32, #tpu.memory_space<vmem>> -> memref<1x128x128xf32, #tpu.memory_space<vmem>>
        %scatter3A_766 = tpu.memref_squeeze %scatter3A_765 : memref<1x128x128xf32, #tpu.memory_space<vmem>> -> memref<128x128xf32, #tpu.memory_space<vmem>>
        tpu.vector_store_idx %scatter3A_766[%add3A_758, %get3A_761], %broadcast_in_dim3A_7 : memref<128x128xf32, #tpu.memory_space<vmem>>[vector<16xi32>, vector<16xi32>], vector<16xf32>,
        %add3A_767 = arith.constant 80 : i32
        %add3A_768 = vector.broadcast %add3A_767 : i32 to vector<16xi32>
        %add3A_769 = arith.addi %iota3A, %add3A_768 : vector<16xi32>
        %get3A_770 = arith.index_cast %sub3A_711 : i32 to index
        %get3A_771 = arith.constant 80 : index
        %get3A_772 = tpu.vector_load %arg5[%get3A_770, %get3A_771] {strides = array<i32>} : memref<200x128xi32, #tpu.memory_space<vmem>>, vector<16xi32>,
        %scatter3A_773 = arith.constant 3 : i32
        %scatter3A_774 = arith.constant 0 : i32
        %scatter3A_775 = arith.constant 0 : i32
        %scatter3A_776 = tpu.memref_slice %arg6[%scatter3A_773, %scatter3A_774, %scatter3A_775] : memref<5x128x128xf32, #tpu.memory_space<vmem>> -> memref<1x128x128xf32, #tpu.memory_space<vmem>>
        %scatter3A_777 = tpu.memref_squeeze %scatter3A_776 : memref<1x128x128xf32, #tpu.memory_space<vmem>> -> memref<128x128xf32, #tpu.memory_space<vmem>>
        tpu.vector_store_idx %scatter3A_777[%add3A_769, %get3A_772], %broadcast_in_dim3A_7 : memref<128x128xf32, #tpu.memory_space<vmem>>[vector<16xi32>, vector<16xi32>], vector<16xf32>,
        %add3A_778 = arith.constant 96 : i32
        %add3A_779 = vector.broadcast %add3A_778 : i32 to vector<16xi32>
        %add3A_780 = arith.addi %iota3A, %add3A_779 : vector<16xi32>
        %get3A_781 = arith.index_cast %sub3A_711 : i32 to index
        %get3A_782 = arith.constant 96 : index
        %get3A_783 = tpu.vector_load %arg5[%get3A_781, %get3A_782] {strides = array<i32>} : memref<200x128xi32, #tpu.memory_space<vmem>>, vector<16xi32>,
        %scatter3A_784 = arith.constant 3 : i32
        %scatter3A_785 = arith.constant 0 : i32
        %scatter3A_786 = arith.constant 0 : i32
        %scatter3A_787 = tpu.memref_slice %arg6[%scatter3A_784, %scatter3A_785, %scatter3A_786] : memref<5x128x128xf32, #tpu.memory_space<vmem>> -> memref<1x128x128xf32, #tpu.memory_space<vmem>>
        %scatter3A_788 = tpu.memref_squeeze %scatter3A_787 : memref<1x128x128xf32, #tpu.memory_space<vmem>> -> memref<128x128xf32, #tpu.memory_space<vmem>>
        tpu.vector_store_idx %scatter3A_788[%add3A_780, %get3A_783], %broadcast_in_dim3A_7 : memref<128x128xf32, #tpu.memory_space<vmem>>[vector<16xi32>, vector<16xi32>], vector<16xf32>,
        %add3A_789 = arith.constant 112 : i32
        %add3A_790 = vector.broadcast %add3A_789 : i32 to vector<16xi32>
        %add3A_791 = arith.addi %iota3A, %add3A_790 : vector<16xi32>
        %get3A_792 = arith.index_cast %sub3A_711 : i32 to index
        %get3A_793 = arith.constant 112 : index
        %get3A_794 = tpu.vector_load %arg5[%get3A_792, %get3A_793] {strides = array<i32>} : memref<200x128xi32, #tpu.memory_space<vmem>>, vector<16xi32>,
        %scatter3A_795 = arith.constant 3 : i32
        %scatter3A_796 = arith.constant 0 : i32
        %scatter3A_797 = arith.constant 0 : i32
        %scatter3A_798 = tpu.memref_slice %arg6[%scatter3A_795, %scatter3A_796, %scatter3A_797] : memref<5x128x128xf32, #tpu.memory_space<vmem>> -> memref<1x128x128xf32, #tpu.memory_space<vmem>>
        %scatter3A_799 = tpu.memref_squeeze %scatter3A_798 : memref<1x128x128xf32, #tpu.memory_space<vmem>> -> memref<128x128xf32, #tpu.memory_space<vmem>>
        tpu.vector_store_idx %scatter3A_799[%add3A_791, %get3A_794], %broadcast_in_dim3A_7 : memref<128x128xf32, #tpu.memory_space<vmem>>[vector<16xi32>, vector<16xi32>], vector<16xf32>,
      } else {
      }
      %add3A_472 = arith.constant 0 : i32
      %add3A_473 = vector.broadcast %add3A_472 : i32 to vector<16xi32>
      %add3A_474 = arith.addi %iota3A, %add3A_473 : vector<16xi32>
      %get3A_475 = arith.index_cast %add3A_466 : i32 to index
      %get3A_476 = arith.constant 0 : index
      %get3A_477 = tpu.vector_load %arg5[%get3A_475, %get3A_476] {strides = array<i32>} : memref<200x128xi32, #tpu.memory_space<vmem>>, vector<16xi32>,
      %scatter3A_478 = arith.constant 3 : i32
      %scatter3A_479 = arith.constant 0 : i32
      %scatter3A_480 = arith.constant 0 : i32
      %scatter3A_481 = tpu.memref_slice %arg6[%scatter3A_478, %scatter3A_479, %scatter3A_480] : memref<5x128x128xf32, #tpu.memory_space<vmem>> -> memref<1x128x128xf32, #tpu.memory_space<vmem>>
      %scatter3A_482 = tpu.memref_squeeze %scatter3A_481 : memref<1x128x128xf32, #tpu.memory_space<vmem>> -> memref<128x128xf32, #tpu.memory_space<vmem>>
      tpu.vector_store_idx %scatter3A_482[%add3A_474, %get3A_477], %broadcast_in_dim3A_5 : memref<128x128xf32, #tpu.memory_space<vmem>>[vector<16xi32>, vector<16xi32>], vector<16xf32>,
      %add3A_483 = arith.constant 16 : i32
      %add3A_484 = vector.broadcast %add3A_483 : i32 to vector<16xi32>
      %add3A_485 = arith.addi %iota3A, %add3A_484 : vector<16xi32>
      %get3A_486 = arith.index_cast %add3A_466 : i32 to index
      %get3A_487 = arith.constant 16 : index
      %get3A_488 = tpu.vector_load %arg5[%get3A_486, %get3A_487] {strides = array<i32>} : memref<200x128xi32, #tpu.memory_space<vmem>>, vector<16xi32>,
      %scatter3A_489 = arith.constant 3 : i32
      %scatter3A_490 = arith.constant 0 : i32
      %scatter3A_491 = arith.constant 0 : i32
      %scatter3A_492 = tpu.memref_slice %arg6[%scatter3A_489, %scatter3A_490, %scatter3A_491] : memref<5x128x128xf32, #tpu.memory_space<vmem>> -> memref<1x128x128xf32, #tpu.memory_space<vmem>>
      %scatter3A_493 = tpu.memref_squeeze %scatter3A_492 : memref<1x128x128xf32, #tpu.memory_space<vmem>> -> memref<128x128xf32, #tpu.memory_space<vmem>>
      tpu.vector_store_idx %scatter3A_493[%add3A_485, %get3A_488], %broadcast_in_dim3A_5 : memref<128x128xf32, #tpu.memory_space<vmem>>[vector<16xi32>, vector<16xi32>], vector<16xf32>,
      %add3A_494 = arith.constant 32 : i32
      %add3A_495 = vector.broadcast %add3A_494 : i32 to vector<16xi32>
      %add3A_496 = arith.addi %iota3A, %add3A_495 : vector<16xi32>
      %get3A_497 = arith.index_cast %add3A_466 : i32 to index
      %get3A_498 = arith.constant 32 : index
      %get3A_499 = tpu.vector_load %arg5[%get3A_497, %get3A_498] {strides = array<i32>} : memref<200x128xi32, #tpu.memory_space<vmem>>, vector<16xi32>,
      %scatter3A_500 = arith.constant 3 : i32
      %scatter3A_501 = arith.constant 0 : i32
      %scatter3A_502 = arith.constant 0 : i32
      %scatter3A_503 = tpu.memref_slice %arg6[%scatter3A_500, %scatter3A_501, %scatter3A_502] : memref<5x128x128xf32, #tpu.memory_space<vmem>> -> memref<1x128x128xf32, #tpu.memory_space<vmem>>
      %scatter3A_504 = tpu.memref_squeeze %scatter3A_503 : memref<1x128x128xf32, #tpu.memory_space<vmem>> -> memref<128x128xf32, #tpu.memory_space<vmem>>
      tpu.vector_store_idx %scatter3A_504[%add3A_496, %get3A_499], %broadcast_in_dim3A_5 : memref<128x128xf32, #tpu.memory_space<vmem>>[vector<16xi32>, vector<16xi32>], vector<16xf32>,
      %add3A_505 = arith.constant 48 : i32
      %add3A_506 = vector.broadcast %add3A_505 : i32 to vector<16xi32>
      %add3A_507 = arith.addi %iota3A, %add3A_506 : vector<16xi32>
      %get3A_508 = arith.index_cast %add3A_466 : i32 to index
      %get3A_509 = arith.constant 48 : index
      %get3A_510 = tpu.vector_load %arg5[%get3A_508, %get3A_509] {strides = array<i32>} : memref<200x128xi32, #tpu.memory_space<vmem>>, vector<16xi32>,
      %scatter3A_511 = arith.constant 3 : i32
      %scatter3A_512 = arith.constant 0 : i32
      %scatter3A_513 = arith.constant 0 : i32
      %scatter3A_514 = tpu.memref_slice %arg6[%scatter3A_511, %scatter3A_512, %scatter3A_513] : memref<5x128x128xf32, #tpu.memory_space<vmem>> -> memref<1x128x128xf32, #tpu.memory_space<vmem>>
      %scatter3A_515 = tpu.memref_squeeze %scatter3A_514 : memref<1x128x128xf32, #tpu.memory_space<vmem>> -> memref<128x128xf32, #tpu.memory_space<vmem>>
      tpu.vector_store_idx %scatter3A_515[%add3A_507, %get3A_510], %broadcast_in_dim3A_5 : memref<128x128xf32, #tpu.memory_space<vmem>>[vector<16xi32>, vector<16xi32>], vector<16xf32>,
      %add3A_516 = arith.constant 64 : i32
      %add3A_517 = vector.broadcast %add3A_516 : i32 to vector<16xi32>
      %add3A_518 = arith.addi %iota3A, %add3A_517 : vector<16xi32>
      %get3A_519 = arith.index_cast %add3A_466 : i32 to index
      %get3A_520 = arith.constant 64 : index
      %get3A_521 = tpu.vector_load %arg5[%get3A_519, %get3A_520] {strides = array<i32>} : memref<200x128xi32, #tpu.memory_space<vmem>>, vector<16xi32>,
      %scatter3A_522 = arith.constant 3 : i32
      %scatter3A_523 = arith.constant 0 : i32
      %scatter3A_524 = arith.constant 0 : i32
      %scatter3A_525 = tpu.memref_slice %arg6[%scatter3A_522, %scatter3A_523, %scatter3A_524] : memref<5x128x128xf32, #tpu.memory_space<vmem>> -> memref<1x128x128xf32, #tpu.memory_space<vmem>>
      %scatter3A_526 = tpu.memref_squeeze %scatter3A_525 : memref<1x128x128xf32, #tpu.memory_space<vmem>> -> memref<128x128xf32, #tpu.memory_space<vmem>>
      tpu.vector_store_idx %scatter3A_526[%add3A_518, %get3A_521], %broadcast_in_dim3A_5 : memref<128x128xf32, #tpu.memory_space<vmem>>[vector<16xi32>, vector<16xi32>], vector<16xf32>,
      %add3A_527 = arith.constant 80 : i32
      %add3A_528 = vector.broadcast %add3A_527 : i32 to vector<16xi32>
      %add3A_529 = arith.addi %iota3A, %add3A_528 : vector<16xi32>
      %get3A_530 = arith.index_cast %add3A_466 : i32 to index
      %get3A_531 = arith.constant 80 : index
      %get3A_532 = tpu.vector_load %arg5[%get3A_530, %get3A_531] {strides = array<i32>} : memref<200x128xi32, #tpu.memory_space<vmem>>, vector<16xi32>,
      %scatter3A_533 = arith.constant 3 : i32
      %scatter3A_534 = arith.constant 0 : i32
      %scatter3A_535 = arith.constant 0 : i32
      %scatter3A_536 = tpu.memref_slice %arg6[%scatter3A_533, %scatter3A_534, %scatter3A_535] : memref<5x128x128xf32, #tpu.memory_space<vmem>> -> memref<1x128x128xf32, #tpu.memory_space<vmem>>
      %scatter3A_537 = tpu.memref_squeeze %scatter3A_536 : memref<1x128x128xf32, #tpu.memory_space<vmem>> -> memref<128x128xf32, #tpu.memory_space<vmem>>
      tpu.vector_store_idx %scatter3A_537[%add3A_529, %get3A_532], %broadcast_in_dim3A_5 : memref<128x128xf32, #tpu.memory_space<vmem>>[vector<16xi32>, vector<16xi32>], vector<16xf32>,
      %add3A_538 = arith.constant 96 : i32
      %add3A_539 = vector.broadcast %add3A_538 : i32 to vector<16xi32>
      %add3A_540 = arith.addi %iota3A, %add3A_539 : vector<16xi32>
      %get3A_541 = arith.index_cast %add3A_466 : i32 to index
      %get3A_542 = arith.constant 96 : index
      %get3A_543 = tpu.vector_load %arg5[%get3A_541, %get3A_542] {strides = array<i32>} : memref<200x128xi32, #tpu.memory_space<vmem>>, vector<16xi32>,
      %scatter3A_544 = arith.constant 3 : i32
      %scatter3A_545 = arith.constant 0 : i32
      %scatter3A_546 = arith.constant 0 : i32
      %scatter3A_547 = tpu.memref_slice %arg6[%scatter3A_544, %scatter3A_545, %scatter3A_546] : memref<5x128x128xf32, #tpu.memory_space<vmem>> -> memref<1x128x128xf32, #tpu.memory_space<vmem>>
      %scatter3A_548 = tpu.memref_squeeze %scatter3A_547 : memref<1x128x128xf32, #tpu.memory_space<vmem>> -> memref<128x128xf32, #tpu.memory_space<vmem>>
      tpu.vector_store_idx %scatter3A_548[%add3A_540, %get3A_543], %broadcast_in_dim3A_5 : memref<128x128xf32, #tpu.memory_space<vmem>>[vector<16xi32>, vector<16xi32>], vector<16xf32>,
      %add3A_549 = arith.constant 112 : i32
      %add3A_550 = vector.broadcast %add3A_549 : i32 to vector<16xi32>
      %add3A_551 = arith.addi %iota3A, %add3A_550 : vector<16xi32>
      %get3A_552 = arith.index_cast %add3A_466 : i32 to index
      %get3A_553 = arith.constant 112 : index
      %get3A_554 = tpu.vector_load %arg5[%get3A_552, %get3A_553] {strides = array<i32>} : memref<200x128xi32, #tpu.memory_space<vmem>>, vector<16xi32>,
      %scatter3A_555 = arith.constant 3 : i32
      %scatter3A_556 = arith.constant 0 : i32
      %scatter3A_557 = arith.constant 0 : i32
      %scatter3A_558 = tpu.memref_slice %arg6[%scatter3A_555, %scatter3A_556, %scatter3A_557] : memref<5x128x128xf32, #tpu.memory_space<vmem>> -> memref<1x128x128xf32, #tpu.memory_space<vmem>>
      %scatter3A_559 = tpu.memref_squeeze %scatter3A_558 : memref<1x128x128xf32, #tpu.memory_space<vmem>> -> memref<128x128xf32, #tpu.memory_space<vmem>>
      tpu.vector_store_idx %scatter3A_559[%add3A_551, %get3A_554], %broadcast_in_dim3A_5 : memref<128x128xf32, #tpu.memory_space<vmem>>[vector<16xi32>, vector<16xi32>], vector<16xf32>,
      %mul3A_560 = arith.constant 128 : i32
      %mul3A_561 = arith.muli %add3A_466, %mul3A_560 : i32
      %add3A_562 = arith.addi %mul3A_2, %mul3A_561 : i32
      %dma_start3A_563 = arith.constant 3 : i32
      %dma_start3A_564 = arith.constant 3 : i32
      %dma_start3A_565 = arith.constant 0 : i32
      %dma_start3A_566 = arith.constant 0 : i32
      %dma_start3A_567 = tpu.memref_slice %arg6[%dma_start3A_563, %dma_start3A_565, %dma_start3A_566] : memref<5x128x128xf32, #tpu.memory_space<vmem>> -> memref<1x128x128xf32, #tpu.memory_space<vmem>>
      %dma_start3A_568 = tpu.memref_squeeze %dma_start3A_567 : memref<1x128x128xf32, #tpu.memory_space<vmem>> -> memref<128x128xf32, #tpu.memory_space<vmem>>
      %dma_start3A_569 = arith.constant 0 : i32
      %dma_start3A_570 = tpu.memref_slice %arg4[%add3A_562, %dma_start3A_569] : memref<819200x128xf32, #tpu.memory_space<hbm>> -> memref<128x128xf32, #tpu.memory_space<hbm>>
      %dma_start3A_571 = tpu.memref_slice %arg7[%dma_start3A_564] : memref<5x!tpu.dma_semaphore, #tpu.memory_space<semaphore_mem>> -> memref<1x!tpu.dma_semaphore, #tpu.memory_space<semaphore_mem>>
      %dma_start3A_572 = tpu.memref_squeeze %dma_start3A_571 : memref<1x!tpu.dma_semaphore, #tpu.memory_space<semaphore_mem>> -> memref<!tpu.dma_semaphore, #tpu.memory_space<semaphore_mem>>
      %dma_start3A_573 = arith.constant 0 : i32
      %dma_start3A_574 = tpu.memref_slice %arg4[%add3A_562, %dma_start3A_573] : memref<819200x128xf32, #tpu.memory_space<hbm>> -> memref<128x128xf32, #tpu.memory_space<hbm>>
      %dma_start3A_575 = arith.constant 0 : i32
      %dma_start3A_576 = arith.constant 0 : i32
      %dma_start3A_577 = tpu.memref_slice %arg6[%dma_start3A_563, %dma_start3A_575, %dma_start3A_576] : memref<5x128x128xf32, #tpu.memory_space<vmem>> -> memref<1x128x128xf32, #tpu.memory_space<vmem>>
      %dma_start3A_578 = tpu.memref_squeeze %dma_start3A_577 : memref<1x128x128xf32, #tpu.memory_space<vmem>> -> memref<128x128xf32, #tpu.memory_space<vmem>>
      tpu.enqueue_dma source(%dma_start3A_578 : memref<128x128xf32, #tpu.memory_space<vmem>>) target(%dma_start3A_574 : memref<128x128xf32, #tpu.memory_space<hbm>>) target_semaphore(%dma_start3A_572 : memref<!tpu.dma_semaphore, #tpu.memory_space<semaphore_mem>>)
      %mul3A_579 = arith.constant 5 : i32
      %mul3A_580 = arith.muli %add3A_120, %mul3A_579 : i32
      %add3A_581 = arith.constant 4 : i32
      %add3A_582 = arith.addi %mul3A_580, %add3A_581 : i32
      %gt3A_583 = arith.constant 0 : i32
      %gt3A_584 = arith.cmpi sgt, %add3A_120, %gt3A_583 : i32
      %convert_element_type3A_585 = arith.extui %gt3A_584 : i1 to i32
      %cond3A_586 = arith.constant 0 : i32
      %cond3A_587 = arith.cmpi ne, %convert_element_type3A_585, %cond3A_586 : i32
      scf.if %cond3A_587 {
        %dma_wait3A_695 = arith.constant 4 : i32
        %dma_wait3A_696 = arith.constant 4 : i32
        %dma_wait3A_697 = arith.constant 0 : i32
        %dma_wait3A_698 = arith.constant 0 : i32
        %dma_wait3A_699 = tpu.memref_slice %arg6[%dma_wait3A_695, %dma_wait3A_697, %dma_wait3A_698] : memref<5x128x128xf32, #tpu.memory_space<vmem>> -> memref<1x128x128xf32, #tpu.memory_space<vmem>>
        %dma_wait3A_700 = tpu.memref_squeeze %dma_wait3A_699 : memref<1x128x128xf32, #tpu.memory_space<vmem>> -> memref<128x128xf32, #tpu.memory_space<vmem>>
        %dma_wait3A_701 = arith.constant 0 : i32
        %dma_wait3A_702 = tpu.memref_slice %arg4[%mul3A_2, %dma_wait3A_701] : memref<819200x128xf32, #tpu.memory_space<hbm>> -> memref<128x128xf32, #tpu.memory_space<hbm>>
        %dma_wait3A_703 = tpu.memref_slice %arg7[%dma_wait3A_696] : memref<5x!tpu.dma_semaphore, #tpu.memory_space<semaphore_mem>> -> memref<1x!tpu.dma_semaphore, #tpu.memory_space<semaphore_mem>>
        %dma_wait3A_704 = tpu.memref_squeeze %dma_wait3A_703 : memref<1x!tpu.dma_semaphore, #tpu.memory_space<semaphore_mem>> -> memref<!tpu.dma_semaphore, #tpu.memory_space<semaphore_mem>>
        %dma_wait3A_705 = arith.constant 0 : i32
        %dma_wait3A_706 = tpu.memref_slice %arg4[%mul3A_2, %dma_wait3A_705] : memref<819200x128xf32, #tpu.memory_space<hbm>> -> memref<128x128xf32, #tpu.memory_space<hbm>>
        %dma_wait3A_707 = arith.constant 0 : i32
        %dma_wait3A_708 = arith.constant 0 : i32
        %dma_wait3A_709 = tpu.memref_slice %arg6[%dma_wait3A_695, %dma_wait3A_707, %dma_wait3A_708] : memref<5x128x128xf32, #tpu.memory_space<vmem>> -> memref<1x128x128xf32, #tpu.memory_space<vmem>>
        %dma_wait3A_710 = tpu.memref_squeeze %dma_wait3A_709 : memref<1x128x128xf32, #tpu.memory_space<vmem>> -> memref<128x128xf32, #tpu.memory_space<vmem>>
        tpu.wait_dma2 semaphore(%dma_wait3A_704 : memref<!tpu.dma_semaphore, #tpu.memory_space<semaphore_mem>>) src(%dma_wait3A_710 : memref<128x128xf32, #tpu.memory_space<vmem>>) dst(%dma_wait3A_706 : memref<128x128xf32, #tpu.memory_space<hbm>>)
        %sub3A = arith.constant 5 : i32
        %sub3A_711 = arith.subi %add3A_582, %sub3A : i32
        %add3A_712 = arith.constant 0 : i32
        %add3A_713 = vector.broadcast %add3A_712 : i32 to vector<16xi32>
        %add3A_714 = arith.addi %iota3A, %add3A_713 : vector<16xi32>
        %get3A_715 = arith.index_cast %sub3A_711 : i32 to index
        %get3A_716 = arith.constant 0 : index
        %get3A_717 = tpu.vector_load %arg5[%get3A_715, %get3A_716] {strides = array<i32>} : memref<200x128xi32, #tpu.memory_space<vmem>>, vector<16xi32>,
        %scatter3A_718 = arith.constant 4 : i32
        %scatter3A_719 = arith.constant 0 : i32
        %scatter3A_720 = arith.constant 0 : i32
        %scatter3A_721 = tpu.memref_slice %arg6[%scatter3A_718, %scatter3A_719, %scatter3A_720] : memref<5x128x128xf32, #tpu.memory_space<vmem>> -> memref<1x128x128xf32, #tpu.memory_space<vmem>>
        %scatter3A_722 = tpu.memref_squeeze %scatter3A_721 : memref<1x128x128xf32, #tpu.memory_space<vmem>> -> memref<128x128xf32, #tpu.memory_space<vmem>>
        tpu.vector_store_idx %scatter3A_722[%add3A_714, %get3A_717], %broadcast_in_dim3A_7 : memref<128x128xf32, #tpu.memory_space<vmem>>[vector<16xi32>, vector<16xi32>], vector<16xf32>,
        %add3A_723 = arith.constant 16 : i32
        %add3A_724 = vector.broadcast %add3A_723 : i32 to vector<16xi32>
        %add3A_725 = arith.addi %iota3A, %add3A_724 : vector<16xi32>
        %get3A_726 = arith.index_cast %sub3A_711 : i32 to index
        %get3A_727 = arith.constant 16 : index
        %get3A_728 = tpu.vector_load %arg5[%get3A_726, %get3A_727] {strides = array<i32>} : memref<200x128xi32, #tpu.memory_space<vmem>>, vector<16xi32>,
        %scatter3A_729 = arith.constant 4 : i32
        %scatter3A_730 = arith.constant 0 : i32
        %scatter3A_731 = arith.constant 0 : i32
        %scatter3A_732 = tpu.memref_slice %arg6[%scatter3A_729, %scatter3A_730, %scatter3A_731] : memref<5x128x128xf32, #tpu.memory_space<vmem>> -> memref<1x128x128xf32, #tpu.memory_space<vmem>>
        %scatter3A_733 = tpu.memref_squeeze %scatter3A_732 : memref<1x128x128xf32, #tpu.memory_space<vmem>> -> memref<128x128xf32, #tpu.memory_space<vmem>>
        tpu.vector_store_idx %scatter3A_733[%add3A_725, %get3A_728], %broadcast_in_dim3A_7 : memref<128x128xf32, #tpu.memory_space<vmem>>[vector<16xi32>, vector<16xi32>], vector<16xf32>,
        %add3A_734 = arith.constant 32 : i32
        %add3A_735 = vector.broadcast %add3A_734 : i32 to vector<16xi32>
        %add3A_736 = arith.addi %iota3A, %add3A_735 : vector<16xi32>
        %get3A_737 = arith.index_cast %sub3A_711 : i32 to index
        %get3A_738 = arith.constant 32 : index
        %get3A_739 = tpu.vector_load %arg5[%get3A_737, %get3A_738] {strides = array<i32>} : memref<200x128xi32, #tpu.memory_space<vmem>>, vector<16xi32>,
        %scatter3A_740 = arith.constant 4 : i32
        %scatter3A_741 = arith.constant 0 : i32
        %scatter3A_742 = arith.constant 0 : i32
        %scatter3A_743 = tpu.memref_slice %arg6[%scatter3A_740, %scatter3A_741, %scatter3A_742] : memref<5x128x128xf32, #tpu.memory_space<vmem>> -> memref<1x128x128xf32, #tpu.memory_space<vmem>>
        %scatter3A_744 = tpu.memref_squeeze %scatter3A_743 : memref<1x128x128xf32, #tpu.memory_space<vmem>> -> memref<128x128xf32, #tpu.memory_space<vmem>>
        tpu.vector_store_idx %scatter3A_744[%add3A_736, %get3A_739], %broadcast_in_dim3A_7 : memref<128x128xf32, #tpu.memory_space<vmem>>[vector<16xi32>, vector<16xi32>], vector<16xf32>,
        %add3A_745 = arith.constant 48 : i32
        %add3A_746 = vector.broadcast %add3A_745 : i32 to vector<16xi32>
        %add3A_747 = arith.addi %iota3A, %add3A_746 : vector<16xi32>
        %get3A_748 = arith.index_cast %sub3A_711 : i32 to index
        %get3A_749 = arith.constant 48 : index
        %get3A_750 = tpu.vector_load %arg5[%get3A_748, %get3A_749] {strides = array<i32>} : memref<200x128xi32, #tpu.memory_space<vmem>>, vector<16xi32>,
        %scatter3A_751 = arith.constant 4 : i32
        %scatter3A_752 = arith.constant 0 : i32
        %scatter3A_753 = arith.constant 0 : i32
        %scatter3A_754 = tpu.memref_slice %arg6[%scatter3A_751, %scatter3A_752, %scatter3A_753] : memref<5x128x128xf32, #tpu.memory_space<vmem>> -> memref<1x128x128xf32, #tpu.memory_space<vmem>>
        %scatter3A_755 = tpu.memref_squeeze %scatter3A_754 : memref<1x128x128xf32, #tpu.memory_space<vmem>> -> memref<128x128xf32, #tpu.memory_space<vmem>>
        tpu.vector_store_idx %scatter3A_755[%add3A_747, %get3A_750], %broadcast_in_dim3A_7 : memref<128x128xf32, #tpu.memory_space<vmem>>[vector<16xi32>, vector<16xi32>], vector<16xf32>,
        %add3A_756 = arith.constant 64 : i32
        %add3A_757 = vector.broadcast %add3A_756 : i32 to vector<16xi32>
        %add3A_758 = arith.addi %iota3A, %add3A_757 : vector<16xi32>
        %get3A_759 = arith.index_cast %sub3A_711 : i32 to index
        %get3A_760 = arith.constant 64 : index
        %get3A_761 = tpu.vector_load %arg5[%get3A_759, %get3A_760] {strides = array<i32>} : memref<200x128xi32, #tpu.memory_space<vmem>>, vector<16xi32>,
        %scatter3A_762 = arith.constant 4 : i32
        %scatter3A_763 = arith.constant 0 : i32
        %scatter3A_764 = arith.constant 0 : i32
        %scatter3A_765 = tpu.memref_slice %arg6[%scatter3A_762, %scatter3A_763, %scatter3A_764] : memref<5x128x128xf32, #tpu.memory_space<vmem>> -> memref<1x128x128xf32, #tpu.memory_space<vmem>>
        %scatter3A_766 = tpu.memref_squeeze %scatter3A_765 : memref<1x128x128xf32, #tpu.memory_space<vmem>> -> memref<128x128xf32, #tpu.memory_space<vmem>>
        tpu.vector_store_idx %scatter3A_766[%add3A_758, %get3A_761], %broadcast_in_dim3A_7 : memref<128x128xf32, #tpu.memory_space<vmem>>[vector<16xi32>, vector<16xi32>], vector<16xf32>,
        %add3A_767 = arith.constant 80 : i32
        %add3A_768 = vector.broadcast %add3A_767 : i32 to vector<16xi32>
        %add3A_769 = arith.addi %iota3A, %add3A_768 : vector<16xi32>
        %get3A_770 = arith.index_cast %sub3A_711 : i32 to index
        %get3A_771 = arith.constant 80 : index
        %get3A_772 = tpu.vector_load %arg5[%get3A_770, %get3A_771] {strides = array<i32>} : memref<200x128xi32, #tpu.memory_space<vmem>>, vector<16xi32>,
        %scatter3A_773 = arith.constant 4 : i32
        %scatter3A_774 = arith.constant 0 : i32
        %scatter3A_775 = arith.constant 0 : i32
        %scatter3A_776 = tpu.memref_slice %arg6[%scatter3A_773, %scatter3A_774, %scatter3A_775] : memref<5x128x128xf32, #tpu.memory_space<vmem>> -> memref<1x128x128xf32, #tpu.memory_space<vmem>>
        %scatter3A_777 = tpu.memref_squeeze %scatter3A_776 : memref<1x128x128xf32, #tpu.memory_space<vmem>> -> memref<128x128xf32, #tpu.memory_space<vmem>>
        tpu.vector_store_idx %scatter3A_777[%add3A_769, %get3A_772], %broadcast_in_dim3A_7 : memref<128x128xf32, #tpu.memory_space<vmem>>[vector<16xi32>, vector<16xi32>], vector<16xf32>,
        %add3A_778 = arith.constant 96 : i32
        %add3A_779 = vector.broadcast %add3A_778 : i32 to vector<16xi32>
        %add3A_780 = arith.addi %iota3A, %add3A_779 : vector<16xi32>
        %get3A_781 = arith.index_cast %sub3A_711 : i32 to index
        %get3A_782 = arith.constant 96 : index
        %get3A_783 = tpu.vector_load %arg5[%get3A_781, %get3A_782] {strides = array<i32>} : memref<200x128xi32, #tpu.memory_space<vmem>>, vector<16xi32>,
        %scatter3A_784 = arith.constant 4 : i32
        %scatter3A_785 = arith.constant 0 : i32
        %scatter3A_786 = arith.constant 0 : i32
        %scatter3A_787 = tpu.memref_slice %arg6[%scatter3A_784, %scatter3A_785, %scatter3A_786] : memref<5x128x128xf32, #tpu.memory_space<vmem>> -> memref<1x128x128xf32, #tpu.memory_space<vmem>>
        %scatter3A_788 = tpu.memref_squeeze %scatter3A_787 : memref<1x128x128xf32, #tpu.memory_space<vmem>> -> memref<128x128xf32, #tpu.memory_space<vmem>>
        tpu.vector_store_idx %scatter3A_788[%add3A_780, %get3A_783], %broadcast_in_dim3A_7 : memref<128x128xf32, #tpu.memory_space<vmem>>[vector<16xi32>, vector<16xi32>], vector<16xf32>,
        %add3A_789 = arith.constant 112 : i32
        %add3A_790 = vector.broadcast %add3A_789 : i32 to vector<16xi32>
        %add3A_791 = arith.addi %iota3A, %add3A_790 : vector<16xi32>
        %get3A_792 = arith.index_cast %sub3A_711 : i32 to index
        %get3A_793 = arith.constant 112 : index
        %get3A_794 = tpu.vector_load %arg5[%get3A_792, %get3A_793] {strides = array<i32>} : memref<200x128xi32, #tpu.memory_space<vmem>>, vector<16xi32>,
        %scatter3A_795 = arith.constant 4 : i32
        %scatter3A_796 = arith.constant 0 : i32
        %scatter3A_797 = arith.constant 0 : i32
        %scatter3A_798 = tpu.memref_slice %arg6[%scatter3A_795, %scatter3A_796, %scatter3A_797] : memref<5x128x128xf32, #tpu.memory_space<vmem>> -> memref<1x128x128xf32, #tpu.memory_space<vmem>>
        %scatter3A_799 = tpu.memref_squeeze %scatter3A_798 : memref<1x128x128xf32, #tpu.memory_space<vmem>> -> memref<128x128xf32, #tpu.memory_space<vmem>>
        tpu.vector_store_idx %scatter3A_799[%add3A_791, %get3A_794], %broadcast_in_dim3A_7 : memref<128x128xf32, #tpu.memory_space<vmem>>[vector<16xi32>, vector<16xi32>], vector<16xf32>,
      } else {
      }
      %add3A_588 = arith.constant 0 : i32
      %add3A_589 = vector.broadcast %add3A_588 : i32 to vector<16xi32>
      %add3A_590 = arith.addi %iota3A, %add3A_589 : vector<16xi32>
      %get3A_591 = arith.index_cast %add3A_582 : i32 to index
      %get3A_592 = arith.constant 0 : index
      %get3A_593 = tpu.vector_load %arg5[%get3A_591, %get3A_592] {strides = array<i32>} : memref<200x128xi32, #tpu.memory_space<vmem>>, vector<16xi32>,
      %scatter3A_594 = arith.constant 4 : i32
      %scatter3A_595 = arith.constant 0 : i32
      %scatter3A_596 = arith.constant 0 : i32
      %scatter3A_597 = tpu.memref_slice %arg6[%scatter3A_594, %scatter3A_595, %scatter3A_596] : memref<5x128x128xf32, #tpu.memory_space<vmem>> -> memref<1x128x128xf32, #tpu.memory_space<vmem>>
      %scatter3A_598 = tpu.memref_squeeze %scatter3A_597 : memref<1x128x128xf32, #tpu.memory_space<vmem>> -> memref<128x128xf32, #tpu.memory_space<vmem>>
      tpu.vector_store_idx %scatter3A_598[%add3A_590, %get3A_593], %broadcast_in_dim3A_5 : memref<128x128xf32, #tpu.memory_space<vmem>>[vector<16xi32>, vector<16xi32>], vector<16xf32>,
      %add3A_599 = arith.constant 16 : i32
      %add3A_600 = vector.broadcast %add3A_599 : i32 to vector<16xi32>
      %add3A_601 = arith.addi %iota3A, %add3A_600 : vector<16xi32>
      %get3A_602 = arith.index_cast %add3A_582 : i32 to index
      %get3A_603 = arith.constant 16 : index
      %get3A_604 = tpu.vector_load %arg5[%get3A_602, %get3A_603] {strides = array<i32>} : memref<200x128xi32, #tpu.memory_space<vmem>>, vector<16xi32>,
      %scatter3A_605 = arith.constant 4 : i32
      %scatter3A_606 = arith.constant 0 : i32
      %scatter3A_607 = arith.constant 0 : i32
      %scatter3A_608 = tpu.memref_slice %arg6[%scatter3A_605, %scatter3A_606, %scatter3A_607] : memref<5x128x128xf32, #tpu.memory_space<vmem>> -> memref<1x128x128xf32, #tpu.memory_space<vmem>>
      %scatter3A_609 = tpu.memref_squeeze %scatter3A_608 : memref<1x128x128xf32, #tpu.memory_space<vmem>> -> memref<128x128xf32, #tpu.memory_space<vmem>>
      tpu.vector_store_idx %scatter3A_609[%add3A_601, %get3A_604], %broadcast_in_dim3A_5 : memref<128x128xf32, #tpu.memory_space<vmem>>[vector<16xi32>, vector<16xi32>], vector<16xf32>,
      %add3A_610 = arith.constant 32 : i32
      %add3A_611 = vector.broadcast %add3A_610 : i32 to vector<16xi32>
      %add3A_612 = arith.addi %iota3A, %add3A_611 : vector<16xi32>
      %get3A_613 = arith.index_cast %add3A_582 : i32 to index
      %get3A_614 = arith.constant 32 : index
      %get3A_615 = tpu.vector_load %arg5[%get3A_613, %get3A_614] {strides = array<i32>} : memref<200x128xi32, #tpu.memory_space<vmem>>, vector<16xi32>,
      %scatter3A_616 = arith.constant 4 : i32
      %scatter3A_617 = arith.constant 0 : i32
      %scatter3A_618 = arith.constant 0 : i32
      %scatter3A_619 = tpu.memref_slice %arg6[%scatter3A_616, %scatter3A_617, %scatter3A_618] : memref<5x128x128xf32, #tpu.memory_space<vmem>> -> memref<1x128x128xf32, #tpu.memory_space<vmem>>
      %scatter3A_620 = tpu.memref_squeeze %scatter3A_619 : memref<1x128x128xf32, #tpu.memory_space<vmem>> -> memref<128x128xf32, #tpu.memory_space<vmem>>
      tpu.vector_store_idx %scatter3A_620[%add3A_612, %get3A_615], %broadcast_in_dim3A_5 : memref<128x128xf32, #tpu.memory_space<vmem>>[vector<16xi32>, vector<16xi32>], vector<16xf32>,
      %add3A_621 = arith.constant 48 : i32
      %add3A_622 = vector.broadcast %add3A_621 : i32 to vector<16xi32>
      %add3A_623 = arith.addi %iota3A, %add3A_622 : vector<16xi32>
      %get3A_624 = arith.index_cast %add3A_582 : i32 to index
      %get3A_625 = arith.constant 48 : index
      %get3A_626 = tpu.vector_load %arg5[%get3A_624, %get3A_625] {strides = array<i32>} : memref<200x128xi32, #tpu.memory_space<vmem>>, vector<16xi32>,
      %scatter3A_627 = arith.constant 4 : i32
      %scatter3A_628 = arith.constant 0 : i32
      %scatter3A_629 = arith.constant 0 : i32
      %scatter3A_630 = tpu.memref_slice %arg6[%scatter3A_627, %scatter3A_628, %scatter3A_629] : memref<5x128x128xf32, #tpu.memory_space<vmem>> -> memref<1x128x128xf32, #tpu.memory_space<vmem>>
      %scatter3A_631 = tpu.memref_squeeze %scatter3A_630 : memref<1x128x128xf32, #tpu.memory_space<vmem>> -> memref<128x128xf32, #tpu.memory_space<vmem>>
      tpu.vector_store_idx %scatter3A_631[%add3A_623, %get3A_626], %broadcast_in_dim3A_5 : memref<128x128xf32, #tpu.memory_space<vmem>>[vector<16xi32>, vector<16xi32>], vector<16xf32>,
      %add3A_632 = arith.constant 64 : i32
      %add3A_633 = vector.broadcast %add3A_632 : i32 to vector<16xi32>
      %add3A_634 = arith.addi %iota3A, %add3A_633 : vector<16xi32>
      %get3A_635 = arith.index_cast %add3A_582 : i32 to index
      %get3A_636 = arith.constant 64 : index
      %get3A_637 = tpu.vector_load %arg5[%get3A_635, %get3A_636] {strides = array<i32>} : memref<200x128xi32, #tpu.memory_space<vmem>>, vector<16xi32>,
      %scatter3A_638 = arith.constant 4 : i32
      %scatter3A_639 = arith.constant 0 : i32
      %scatter3A_640 = arith.constant 0 : i32
      %scatter3A_641 = tpu.memref_slice %arg6[%scatter3A_638, %scatter3A_639, %scatter3A_640] : memref<5x128x128xf32, #tpu.memory_space<vmem>> -> memref<1x128x128xf32, #tpu.memory_space<vmem>>
      %scatter3A_642 = tpu.memref_squeeze %scatter3A_641 : memref<1x128x128xf32, #tpu.memory_space<vmem>> -> memref<128x128xf32, #tpu.memory_space<vmem>>
      tpu.vector_store_idx %scatter3A_642[%add3A_634, %get3A_637], %broadcast_in_dim3A_5 : memref<128x128xf32, #tpu.memory_space<vmem>>[vector<16xi32>, vector<16xi32>], vector<16xf32>,
      %add3A_643 = arith.constant 80 : i32
      %add3A_644 = vector.broadcast %add3A_643 : i32 to vector<16xi32>
      %add3A_645 = arith.addi %iota3A, %add3A_644 : vector<16xi32>
      %get3A_646 = arith.index_cast %add3A_582 : i32 to index
      %get3A_647 = arith.constant 80 : index
      %get3A_648 = tpu.vector_load %arg5[%get3A_646, %get3A_647] {strides = array<i32>} : memref<200x128xi32, #tpu.memory_space<vmem>>, vector<16xi32>,
      %scatter3A_649 = arith.constant 4 : i32
      %scatter3A_650 = arith.constant 0 : i32
      %scatter3A_651 = arith.constant 0 : i32
      %scatter3A_652 = tpu.memref_slice %arg6[%scatter3A_649, %scatter3A_650, %scatter3A_651] : memref<5x128x128xf32, #tpu.memory_space<vmem>> -> memref<1x128x128xf32, #tpu.memory_space<vmem>>
      %scatter3A_653 = tpu.memref_squeeze %scatter3A_652 : memref<1x128x128xf32, #tpu.memory_space<vmem>> -> memref<128x128xf32, #tpu.memory_space<vmem>>
      tpu.vector_store_idx %scatter3A_653[%add3A_645, %get3A_648], %broadcast_in_dim3A_5 : memref<128x128xf32, #tpu.memory_space<vmem>>[vector<16xi32>, vector<16xi32>], vector<16xf32>,
      %add3A_654 = arith.constant 96 : i32
      %add3A_655 = vector.broadcast %add3A_654 : i32 to vector<16xi32>
      %add3A_656 = arith.addi %iota3A, %add3A_655 : vector<16xi32>
      %get3A_657 = arith.index_cast %add3A_582 : i32 to index
      %get3A_658 = arith.constant 96 : index
      %get3A_659 = tpu.vector_load %arg5[%get3A_657, %get3A_658] {strides = array<i32>} : memref<200x128xi32, #tpu.memory_space<vmem>>, vector<16xi32>,
      %scatter3A_660 = arith.constant 4 : i32
      %scatter3A_661 = arith.constant 0 : i32
      %scatter3A_662 = arith.constant 0 : i32
      %scatter3A_663 = tpu.memref_slice %arg6[%scatter3A_660, %scatter3A_661, %scatter3A_662] : memref<5x128x128xf32, #tpu.memory_space<vmem>> -> memref<1x128x128xf32, #tpu.memory_space<vmem>>
      %scatter3A_664 = tpu.memref_squeeze %scatter3A_663 : memref<1x128x128xf32, #tpu.memory_space<vmem>> -> memref<128x128xf32, #tpu.memory_space<vmem>>
      tpu.vector_store_idx %scatter3A_664[%add3A_656, %get3A_659], %broadcast_in_dim3A_5 : memref<128x128xf32, #tpu.memory_space<vmem>>[vector<16xi32>, vector<16xi32>], vector<16xf32>,
      %add3A_665 = arith.constant 112 : i32
      %add3A_666 = vector.broadcast %add3A_665 : i32 to vector<16xi32>
      %add3A_667 = arith.addi %iota3A, %add3A_666 : vector<16xi32>
      %get3A_668 = arith.index_cast %add3A_582 : i32 to index
      %get3A_669 = arith.constant 112 : index
      %get3A_670 = tpu.vector_load %arg5[%get3A_668, %get3A_669] {strides = array<i32>} : memref<200x128xi32, #tpu.memory_space<vmem>>, vector<16xi32>,
      %scatter3A_671 = arith.constant 4 : i32
      %scatter3A_672 = arith.constant 0 : i32
      %scatter3A_673 = arith.constant 0 : i32
      %scatter3A_674 = tpu.memref_slice %arg6[%scatter3A_671, %scatter3A_672, %scatter3A_673] : memref<5x128x128xf32, #tpu.memory_space<vmem>> -> memref<1x128x128xf32, #tpu.memory_space<vmem>>
      %scatter3A_675 = tpu.memref_squeeze %scatter3A_674 : memref<1x128x128xf32, #tpu.memory_space<vmem>> -> memref<128x128xf32, #tpu.memory_space<vmem>>
      tpu.vector_store_idx %scatter3A_675[%add3A_667, %get3A_670], %broadcast_in_dim3A_5 : memref<128x128xf32, #tpu.memory_space<vmem>>[vector<16xi32>, vector<16xi32>], vector<16xf32>,
      %mul3A_676 = arith.constant 128 : i32
      %mul3A_677 = arith.muli %add3A_582, %mul3A_676 : i32
      %add3A_678 = arith.addi %mul3A_2, %mul3A_677 : i32
      %dma_start3A_679 = arith.constant 4 : i32
      %dma_start3A_680 = arith.constant 4 : i32
      %dma_start3A_681 = arith.constant 0 : i32
      %dma_start3A_682 = arith.constant 0 : i32
      %dma_start3A_683 = tpu.memref_slice %arg6[%dma_start3A_679, %dma_start3A_681, %dma_start3A_682] : memref<5x128x128xf32, #tpu.memory_space<vmem>> -> memref<1x128x128xf32, #tpu.memory_space<vmem>>
      %dma_start3A_684 = tpu.memref_squeeze %dma_start3A_683 : memref<1x128x128xf32, #tpu.memory_space<vmem>> -> memref<128x128xf32, #tpu.memory_space<vmem>>
      %dma_start3A_685 = arith.constant 0 : i32
      %dma_start3A_686 = tpu.memref_slice %arg4[%add3A_678, %dma_start3A_685] : memref<819200x128xf32, #tpu.memory_space<hbm>> -> memref<128x128xf32, #tpu.memory_space<hbm>>
      %dma_start3A_687 = tpu.memref_slice %arg7[%dma_start3A_680] : memref<5x!tpu.dma_semaphore, #tpu.memory_space<semaphore_mem>> -> memref<1x!tpu.dma_semaphore, #tpu.memory_space<semaphore_mem>>
      %dma_start3A_688 = tpu.memref_squeeze %dma_start3A_687 : memref<1x!tpu.dma_semaphore, #tpu.memory_space<semaphore_mem>> -> memref<!tpu.dma_semaphore, #tpu.memory_space<semaphore_mem>>
      %dma_start3A_689 = arith.constant 0 : i32
      %dma_start3A_690 = tpu.memref_slice %arg4[%add3A_678, %dma_start3A_689] : memref<819200x128xf32, #tpu.memory_space<hbm>> -> memref<128x128xf32, #tpu.memory_space<hbm>>
      %dma_start3A_691 = arith.constant 0 : i32
      %dma_start3A_692 = arith.constant 0 : i32
      %dma_start3A_693 = tpu.memref_slice %arg6[%dma_start3A_679, %dma_start3A_691, %dma_start3A_692] : memref<5x128x128xf32, #tpu.memory_space<vmem>> -> memref<1x128x128xf32, #tpu.memory_space<vmem>>
      %dma_start3A_694 = tpu.memref_squeeze %dma_start3A_693 : memref<1x128x128xf32, #tpu.memory_space<vmem>> -> memref<128x128xf32, #tpu.memory_space<vmem>>
      tpu.enqueue_dma source(%dma_start3A_694 : memref<128x128xf32, #tpu.memory_space<vmem>>) target(%dma_start3A_690 : memref<128x128xf32, #tpu.memory_space<hbm>>) target_semaphore(%dma_start3A_688 : memref<!tpu.dma_semaphore, #tpu.memory_space<semaphore_mem>>)
    }
    %scan3A_36 = arith.constant 40 : i32
    %dma_wait3A = arith.constant 0 : i32
    %dma_wait3A_37 = arith.constant 0 : i32
    %dma_wait3A_38 = arith.constant 0 : i32
    %dma_wait3A_39 = arith.constant 0 : i32
    %dma_wait3A_40 = tpu.memref_slice %arg6[%dma_wait3A, %dma_wait3A_38, %dma_wait3A_39] : memref<5x128x128xf32, #tpu.memory_space<vmem>> -> memref<1x128x128xf32, #tpu.memory_space<vmem>>
    %dma_wait3A_41 = tpu.memref_squeeze %dma_wait3A_40 : memref<1x128x128xf32, #tpu.memory_space<vmem>> -> memref<128x128xf32, #tpu.memory_space<vmem>>
    %dma_wait3A_42 = arith.constant 0 : i32
    %dma_wait3A_43 = tpu.memref_slice %arg4[%mul3A_2, %dma_wait3A_42] : memref<819200x128xf32, #tpu.memory_space<hbm>> -> memref<128x128xf32, #tpu.memory_space<hbm>>
    %dma_wait3A_44 = tpu.memref_slice %arg7[%dma_wait3A_37] : memref<5x!tpu.dma_semaphore, #tpu.memory_space<semaphore_mem>> -> memref<1x!tpu.dma_semaphore, #tpu.memory_space<semaphore_mem>>
    %dma_wait3A_45 = tpu.memref_squeeze %dma_wait3A_44 : memref<1x!tpu.dma_semaphore, #tpu.memory_space<semaphore_mem>> -> memref<!tpu.dma_semaphore, #tpu.memory_space<semaphore_mem>>
    %dma_wait3A_46 = arith.constant 0 : i32
    %dma_wait3A_47 = tpu.memref_slice %arg4[%mul3A_2, %dma_wait3A_46] : memref<819200x128xf32, #tpu.memory_space<hbm>> -> memref<128x128xf32, #tpu.memory_space<hbm>>
    %dma_wait3A_48 = arith.constant 0 : i32
    %dma_wait3A_49 = arith.constant 0 : i32
    %dma_wait3A_50 = tpu.memref_slice %arg6[%dma_wait3A, %dma_wait3A_48, %dma_wait3A_49] : memref<5x128x128xf32, #tpu.memory_space<vmem>> -> memref<1x128x128xf32, #tpu.memory_space<vmem>>
    %dma_wait3A_51 = tpu.memref_squeeze %dma_wait3A_50 : memref<1x128x128xf32, #tpu.memory_space<vmem>> -> memref<128x128xf32, #tpu.memory_space<vmem>>
    tpu.wait_dma2 semaphore(%dma_wait3A_45 : memref<!tpu.dma_semaphore, #tpu.memory_space<semaphore_mem>>) src(%dma_wait3A_51 : memref<128x128xf32, #tpu.memory_space<vmem>>) dst(%dma_wait3A_47 : memref<128x128xf32, #tpu.memory_space<hbm>>)
    %dma_wait3A_52 = arith.constant 1 : i32
    %dma_wait3A_53 = arith.constant 1 : i32
    %dma_wait3A_54 = arith.constant 0 : i32
    %dma_wait3A_55 = arith.constant 0 : i32
    %dma_wait3A_56 = tpu.memref_slice %arg6[%dma_wait3A_52, %dma_wait3A_54, %dma_wait3A_55] : memref<5x128x128xf32, #tpu.memory_space<vmem>> -> memref<1x128x128xf32, #tpu.memory_space<vmem>>
    %dma_wait3A_57 = tpu.memref_squeeze %dma_wait3A_56 : memref<1x128x128xf32, #tpu.memory_space<vmem>> -> memref<128x128xf32, #tpu.memory_space<vmem>>
    %dma_wait3A_58 = arith.constant 0 : i32
    %dma_wait3A_59 = tpu.memref_slice %arg4[%mul3A_2, %dma_wait3A_58] : memref<819200x128xf32, #tpu.memory_space<hbm>> -> memref<128x128xf32, #tpu.memory_space<hbm>>
    %dma_wait3A_60 = tpu.memref_slice %arg7[%dma_wait3A_53] : memref<5x!tpu.dma_semaphore, #tpu.memory_space<semaphore_mem>> -> memref<1x!tpu.dma_semaphore, #tpu.memory_space<semaphore_mem>>
    %dma_wait3A_61 = tpu.memref_squeeze %dma_wait3A_60 : memref<1x!tpu.dma_semaphore, #tpu.memory_space<semaphore_mem>> -> memref<!tpu.dma_semaphore, #tpu.memory_space<semaphore_mem>>
    %dma_wait3A_62 = arith.constant 0 : i32
    %dma_wait3A_63 = tpu.memref_slice %arg4[%mul3A_2, %dma_wait3A_62] : memref<819200x128xf32, #tpu.memory_space<hbm>> -> memref<128x128xf32, #tpu.memory_space<hbm>>
    %dma_wait3A_64 = arith.constant 0 : i32
    %dma_wait3A_65 = arith.constant 0 : i32
    %dma_wait3A_66 = tpu.memref_slice %arg6[%dma_wait3A_52, %dma_wait3A_64, %dma_wait3A_65] : memref<5x128x128xf32, #tpu.memory_space<vmem>> -> memref<1x128x128xf32, #tpu.memory_space<vmem>>
    %dma_wait3A_67 = tpu.memref_squeeze %dma_wait3A_66 : memref<1x128x128xf32, #tpu.memory_space<vmem>> -> memref<128x128xf32, #tpu.memory_space<vmem>>
    tpu.wait_dma2 semaphore(%dma_wait3A_61 : memref<!tpu.dma_semaphore, #tpu.memory_space<semaphore_mem>>) src(%dma_wait3A_67 : memref<128x128xf32, #tpu.memory_space<vmem>>) dst(%dma_wait3A_63 : memref<128x128xf32, #tpu.memory_space<hbm>>)
    %dma_wait3A_68 = arith.constant 2 : i32
    %dma_wait3A_69 = arith.constant 2 : i32
    %dma_wait3A_70 = arith.constant 0 : i32
    %dma_wait3A_71 = arith.constant 0 : i32
    %dma_wait3A_72 = tpu.memref_slice %arg6[%dma_wait3A_68, %dma_wait3A_70, %dma_wait3A_71] : memref<5x128x128xf32, #tpu.memory_space<vmem>> -> memref<1x128x128xf32, #tpu.memory_space<vmem>>
    %dma_wait3A_73 = tpu.memref_squeeze %dma_wait3A_72 : memref<1x128x128xf32, #tpu.memory_space<vmem>> -> memref<128x128xf32, #tpu.memory_space<vmem>>
    %dma_wait3A_74 = arith.constant 0 : i32
    %dma_wait3A_75 = tpu.memref_slice %arg4[%mul3A_2, %dma_wait3A_74] : memref<819200x128xf32, #tpu.memory_space<hbm>> -> memref<128x128xf32, #tpu.memory_space<hbm>>
    %dma_wait3A_76 = tpu.memref_slice %arg7[%dma_wait3A_69] : memref<5x!tpu.dma_semaphore, #tpu.memory_space<semaphore_mem>> -> memref<1x!tpu.dma_semaphore, #tpu.memory_space<semaphore_mem>>
    %dma_wait3A_77 = tpu.memref_squeeze %dma_wait3A_76 : memref<1x!tpu.dma_semaphore, #tpu.memory_space<semaphore_mem>> -> memref<!tpu.dma_semaphore, #tpu.memory_space<semaphore_mem>>
    %dma_wait3A_78 = arith.constant 0 : i32
    %dma_wait3A_79 = tpu.memref_slice %arg4[%mul3A_2, %dma_wait3A_78] : memref<819200x128xf32, #tpu.memory_space<hbm>> -> memref<128x128xf32, #tpu.memory_space<hbm>>
    %dma_wait3A_80 = arith.constant 0 : i32
    %dma_wait3A_81 = arith.constant 0 : i32
    %dma_wait3A_82 = tpu.memref_slice %arg6[%dma_wait3A_68, %dma_wait3A_80, %dma_wait3A_81] : memref<5x128x128xf32, #tpu.memory_space<vmem>> -> memref<1x128x128xf32, #tpu.memory_space<vmem>>
    %dma_wait3A_83 = tpu.memref_squeeze %dma_wait3A_82 : memref<1x128x128xf32, #tpu.memory_space<vmem>> -> memref<128x128xf32, #tpu.memory_space<vmem>>
    tpu.wait_dma2 semaphore(%dma_wait3A_77 : memref<!tpu.dma_semaphore, #tpu.memory_space<semaphore_mem>>) src(%dma_wait3A_83 : memref<128x128xf32, #tpu.memory_space<vmem>>) dst(%dma_wait3A_79 : memref<128x128xf32, #tpu.memory_space<hbm>>)
    %dma_wait3A_84 = arith.constant 3 : i32
    %dma_wait3A_85 = arith.constant 3 : i32
    %dma_wait3A_86 = arith.constant 0 : i32
    %dma_wait3A_87 = arith.constant 0 : i32
    %dma_wait3A_88 = tpu.memref_slice %arg6[%dma_wait3A_84, %dma_wait3A_86, %dma_wait3A_87] : memref<5x128x128xf32, #tpu.memory_space<vmem>> -> memref<1x128x128xf32, #tpu.memory_space<vmem>>
    %dma_wait3A_89 = tpu.memref_squeeze %dma_wait3A_88 : memref<1x128x128xf32, #tpu.memory_space<vmem>> -> memref<128x128xf32, #tpu.memory_space<vmem>>
    %dma_wait3A_90 = arith.constant 0 : i32
    %dma_wait3A_91 = tpu.memref_slice %arg4[%mul3A_2, %dma_wait3A_90] : memref<819200x128xf32, #tpu.memory_space<hbm>> -> memref<128x128xf32, #tpu.memory_space<hbm>>
    %dma_wait3A_92 = tpu.memref_slice %arg7[%dma_wait3A_85] : memref<5x!tpu.dma_semaphore, #tpu.memory_space<semaphore_mem>> -> memref<1x!tpu.dma_semaphore, #tpu.memory_space<semaphore_mem>>
    %dma_wait3A_93 = tpu.memref_squeeze %dma_wait3A_92 : memref<1x!tpu.dma_semaphore, #tpu.memory_space<semaphore_mem>> -> memref<!tpu.dma_semaphore, #tpu.memory_space<semaphore_mem>>
    %dma_wait3A_94 = arith.constant 0 : i32
    %dma_wait3A_95 = tpu.memref_slice %arg4[%mul3A_2, %dma_wait3A_94] : memref<819200x128xf32, #tpu.memory_space<hbm>> -> memref<128x128xf32, #tpu.memory_space<hbm>>
    %dma_wait3A_96 = arith.constant 0 : i32
    %dma_wait3A_97 = arith.constant 0 : i32
    %dma_wait3A_98 = tpu.memref_slice %arg6[%dma_wait3A_84, %dma_wait3A_96, %dma_wait3A_97] : memref<5x128x128xf32, #tpu.memory_space<vmem>> -> memref<1x128x128xf32, #tpu.memory_space<vmem>>
    %dma_wait3A_99 = tpu.memref_squeeze %dma_wait3A_98 : memref<1x128x128xf32, #tpu.memory_space<vmem>> -> memref<128x128xf32, #tpu.memory_space<vmem>>
    tpu.wait_dma2 semaphore(%dma_wait3A_93 : memref<!tpu.dma_semaphore, #tpu.memory_space<semaphore_mem>>) src(%dma_wait3A_99 : memref<128x128xf32, #tpu.memory_space<vmem>>) dst(%dma_wait3A_95 : memref<128x128xf32, #tpu.memory_space<hbm>>)
    %dma_wait3A_100 = arith.constant 4 : i32
    %dma_wait3A_101 = arith.constant 4 : i32
    %dma_wait3A_102 = arith.constant 0 : i32
    %dma_wait3A_103 = arith.constant 0 : i32
    %dma_wait3A_104 = tpu.memref_slice %arg6[%dma_wait3A_100, %dma_wait3A_102, %dma_wait3A_103] : memref<5x128x128xf32, #tpu.memory_space<vmem>> -> memref<1x128x128xf32, #tpu.memory_space<vmem>>
    %dma_wait3A_105 = tpu.memref_squeeze %dma_wait3A_104 : memref<1x128x128xf32, #tpu.memory_space<vmem>> -> memref<128x128xf32, #tpu.memory_space<vmem>>
    %dma_wait3A_106 = arith.constant 0 : i32
    %dma_wait3A_107 = tpu.memref_slice %arg4[%mul3A_2, %dma_wait3A_106] : memref<819200x128xf32, #tpu.memory_space<hbm>> -> memref<128x128xf32, #tpu.memory_space<hbm>>
    %dma_wait3A_108 = tpu.memref_slice %arg7[%dma_wait3A_101] : memref<5x!tpu.dma_semaphore, #tpu.memory_space<semaphore_mem>> -> memref<1x!tpu.dma_semaphore, #tpu.memory_space<semaphore_mem>>
    %dma_wait3A_109 = tpu.memref_squeeze %dma_wait3A_108 : memref<1x!tpu.dma_semaphore, #tpu.memory_space<semaphore_mem>> -> memref<!tpu.dma_semaphore, #tpu.memory_space<semaphore_mem>>
    %dma_wait3A_110 = arith.constant 0 : i32
    %dma_wait3A_111 = tpu.memref_slice %arg4[%mul3A_2, %dma_wait3A_110] : memref<819200x128xf32, #tpu.memory_space<hbm>> -> memref<128x128xf32, #tpu.memory_space<hbm>>
    %dma_wait3A_112 = arith.constant 0 : i32
    %dma_wait3A_113 = arith.constant 0 : i32
    %dma_wait3A_114 = tpu.memref_slice %arg6[%dma_wait3A_100, %dma_wait3A_112, %dma_wait3A_113] : memref<5x128x128xf32, #tpu.memory_space<vmem>> -> memref<1x128x128xf32, #tpu.memory_space<vmem>>
    %dma_wait3A_115 = tpu.memref_squeeze %dma_wait3A_114 : memref<1x128x128xf32, #tpu.memory_space<vmem>> -> memref<128x128xf32, #tpu.memory_space<vmem>>
    tpu.wait_dma2 semaphore(%dma_wait3A_109 : memref<!tpu.dma_semaphore, #tpu.memory_space<semaphore_mem>>) src(%dma_wait3A_115 : memref<128x128xf32, #tpu.memory_space<vmem>>) dst(%dma_wait3A_111 : memref<128x128xf32, #tpu.memory_space<hbm>>)
    return
  }
}

</mosaic_0001>

<sc_bundles>
// kernel: kernel.3.cloned.1.call-start
scs
__scs_entry_jumppad:
0x0: {  	(pc) =	sbr.rel $0x88, $3  }
0x1: {  	(tag) =	ssettag $0x0;
	lr =	simm.s32 $0x1  }
0x2: {  	[smem:$0x3F9F] =	sst lr;
	_ =	strace $0xD0000000  }
0x3: {  	_ = 	snop  }
0x4: {  	_ = 	snop  }
0x5: {  	_ = 	snop  }
0x6: {  	_ = 	snop  }
0x7: {  	_ = 	snop  }
__scs_overlays_trampoline_lowered:
0x8: {  	[smem:$0x3FAE] =	sst s0  }
0x9: {  	[smem:$0x3FAF] =	sst s1  }
0xa: {  	[smem:$0x3FB0] =	sst s2  }
0xb: {  	[smem:$0x3FB1] =	sst s3  }
0xc: {  	[smem:$0x3FB2] =	sst s4  }
0xd: {  	[smem:$0x3FB3] =	sst s5  }
0xe: {  	[smem:$0x3FB4] =	sst s6  }
0xf: {  	[smem:$0x3FB5] =	sst s7  }
0x10: {  	[smem:$0x3FB6] =	sst s8  }
0x11: {  	[smem:$0x3FB7] =	sst s9;
	s0 =	simm.s32 @!p0 $0x0  }
0x12: {  	s1 =	sld [smem:$0x3F9D];
	s0 =	simm.s32 @p0 $0x1  }
0x13: {  	[smem:$0x3FB8] =	sst s0;
	s0 =	simm.s32 @!p1 $0x0  }
0x14: {  	s2 =	sld [smem:$0x3F9C];
	s0 =	simm.s32 @p1 $0x1  }
0x15: {  	[smem:$0x3FB9] =	sst s0;
	s0 =	simm.s32 @!p2 $0x0  }
0x16: {  	s3 =	sld [smem:$0x3FDB];
	s0 =	simm.s32 @p2 $0x1  }
0x17: {  	s4 =	simm.s32 $0x1BF5;
	[smem:$0x3FBB] =	sst s0  }
0x18: {  	s0 =	sld [smem:$0x3F9E];
	_ =	swait.ge [sflag:s4], $0x0  }
0x19: {  	s7 =	sld [smem:$0x3F9F]  }
0x1a: {  	s8 =	sadd.s32 $0xFFFFE003, lr  }
0x1b: {  	s9 =	sadd.s32 $0xFFFFFEF7, lr;
	s5 =	simm.s32 $0xFFFFFFFF;
	p2 =	slt.u32 s8, $0xFFFFF086  }
0x1c: {  	p1 =	slt.u32 s9, $0xF7A;
	s5 =	simm.s32 @!p2 $0x0  }
0x1d: {  	s5 =	simm.s32 @p1 $0x1;
	p0 =	seq.s32 s7, s2  }
0x1e: {  	s7 =	smul.u32 @!p0 $0xF7A, s2;
	p2 =	seq.s32 @!p0 s5, $0x0  }
0x1f: {  	s9 =	smul.u32 $0xF7A, s1;
	s8 =	simm.s32 @!p0 $0x1BF5;
	p2 =	por !p2, p0  }
0x20: {  	[sflag:s8] =	ssyncset.s32 @!p0 $0xFFFFF086;
	s6 =	sadd.s32 @!p0 s3, s7;
	s7 =	simm.s32 @!p0 $0x108  }
0x21: {  	s3 =	sadd.s32 s3, s9;
	s6 =	sadd.s32 @!p0 $0x88, s6;
	s7 =	simm.s32 @p2 $0x1082  }
0x22: {  	[simem:s7], [sflag:s8] =	dma.local @!p0 [hbm:s6], $0xF7A  }
0x23: {  	s9 =	sor.u32 $0xD0000000, s2;
	s6 =	simm.s32 $0x108;
	_ =	swait.ge @!p0 [sflag:s8], $0x0  }
0x24: {  	s3 =	sadd.s32 $0x88, s3;
	s6 =	simm.s32 @!p1 $0x1082;
	[sflag:s4] =	ssyncset.s32 $0xFFFFF086  }
0x25: {  	[simem:s6], [sflag:s4] =	dma.local [hbm:s3], $0xF7A  }
0x26: {  	[smem:$0x3F9F] =	sst s1;
	(tag) =	ssettag s2;
	_ =	strace s9  }
0x27: {  	s1 =	sld [smem:$0x3FAF]  }
0x28: {  	s2 =	sld [smem:$0x3FB0]  }
0x29: {  	s4 =	sld [smem:$0x3FB2]  }
0x2a: {  	p0 =	seq.s32 s5, $0x0;
	s5 =	sld [smem:$0x3FB3]  }
0x2b: {  	s6 =	sld [smem:$0x3FB4]  }
0x2c: {  	s7 =	sld [smem:$0x3FB5]  }
0x2d: {  	s3 =	simm.s32 $0x108;
	s8 =	sld [smem:$0x3FB6]  }
0x2e: {  	s3 =	simm.s32 @!p0 $0x1082;
	s9 =	sld [smem:$0x3FB7]  }
0x2f: {  	lr =	sadd.s32 s0, s3;
	s0 =	sld [smem:$0x3FAE]  }
0x30: {  	s3 =	sld [smem:$0x3FB1]  }
0x31: {  	[smem:$0x3FBA] =	sst s10  }
0x32: {  	s10 =	sld [smem:$0x3FB8];
	_ =	sdelay $0x3  }
0x33: {  	p0 =	seq.s32 s10, $0x1;
	s10 =	sld [smem:$0x3FBA];
	_ =	sdelay $0x3  }
0x34: {  	[smem:$0x3FBA] =	sst s10  }
0x35: {  	s10 =	sld [smem:$0x3FB9];
	_ =	sdelay $0x3  }
0x36: {  	p1 =	seq.s32 s10, $0x1;
	s10 =	sld [smem:$0x3FBA];
	_ =	sdelay $0x3  }
0x37: {  	[smem:$0x3FBA] =	sst s10  }
0x38: {  	s10 =	sld [smem:$0x3FBB]  }
0x39: {  	_ = 	snop;
	(pc) =	sbr.ind lr, $3  }
0x3a: {  	_ = 	snop  }
0x3b: {  	_ = 	snop  }
0x3c: {  	p2 =	seq.s32 s10, $0x1;
	s10 =	sld [smem:$0x3FBA]  }
0x3d: {  	_ =	shalt  }
0x3e: {  	_ =	shalt  }
0x3f: {  	_ =	shalt  }
0x40: {  	_ =	shalt  }
0x41: {  	_ =	shalt  }
0x42: {  	_ =	shalt  }
0x43: {  	_ =	shalt  }
0x44: {  	_ =	shalt  }
0x45: {  	_ =	shalt  }
0x46: {  	_ =	shalt  }
0x47: {  	_ =	shalt  }
0x48: {  	_ =	shalt  }
0x49: {  	_ =	shalt  }
0x4a: {  	_ =	shalt  }
0x4b: {  	_ =	shalt  }
0x4c: {  	_ =	shalt  }
0x4d: {  	_ =	shalt  }
0x4e: {  	_ =	shalt  }
0x4f: {  	_ =	shalt  }
0x50: {  	_ =	shalt  }
0x51: {  	_ =	shalt  }
0x52: {  	_ =	shalt  }
0x53: {  	_ =	shalt  }
0x54: {  	_ =	shalt  }
0x55: {  	_ =	shalt  }
0x56: {  	_ =	shalt  }
0x57: {  	_ =	shalt  }
0x58: {  	_ =	shalt  }
0x59: {  	_ =	shalt  }
0x5a: {  	_ =	shalt  }
0x5b: {  	_ =	shalt  }
0x5c: {  	_ =	shalt  }
0x5d: {  	_ =	shalt  }
0x5e: {  	_ =	shalt  }
0x5f: {  	_ =	shalt  }
0x60: {  	_ =	shalt  }
0x61: {  	_ =	shalt  }
0x62: {  	_ =	shalt  }
0x63: {  	_ =	shalt  }
0x64: {  	_ =	shalt  }
0x65: {  	_ =	shalt  }
0x66: {  	_ =	shalt  }
0x67: {  	_ =	shalt  }
0x68: {  	_ =	shalt  }
0x69: {  	_ =	shalt  }
0x6a: {  	_ =	shalt  }
0x6b: {  	_ =	shalt  }
0x6c: {  	_ =	shalt  }
0x6d: {  	_ =	shalt  }
0x6e: {  	_ =	shalt  }
0x6f: {  	_ =	shalt  }
0x70: {  	_ =	shalt  }
0x71: {  	_ =	shalt  }
0x72: {  	_ =	shalt  }
0x73: {  	_ =	shalt  }
0x74: {  	_ =	shalt  }
0x75: {  	_ =	shalt  }
0x76: {  	_ =	shalt  }
0x77: {  	_ =	shalt  }
0x78: {  	_ =	shalt  }
0x79: {  	_ =	shalt  }
0x7a: {  	_ =	shalt  }
0x7b: {  	_ =	shalt  }
0x7c: {  	_ =	shalt  }
0x7d: {  	_ =	shalt  }
0x7e: {  	_ =	shalt  }
0x7f: {  	_ =	shalt  }
0x80: {  	_ =	shalt  }
0x81: {  	_ =	shalt  }
0x82: {  	_ =	shalt  }
0x83: {  	_ =	shalt  }
0x84: {  	_ =	shalt  }
0x85: {  	_ =	shalt  }
0x86: {  	_ =	shalt  }
0x87: {  	_ =	shalt  }
.Lfunc_end0:
.L_simem_size_0:
called_computation_lowered:
.L_overlay_start_0:
0x88: {  	s2 =	sld [smem:$0x3FD9]  }
0x89: {  	s3 =	sld [smem:$0x3FFE];
	_ =	sdelay $0x1  }
0x8a: {  	s1 =	srdreg.scid  }
0x8b: {  	s0 =	sand.u32 $0x1, s1  }
0x8c: {  	s17 =	sshll.u32 s0, $0xA;
	s2 =	sadd.s32 s3, s2  }
0x8d: {  	s2 =	sadd.s32 s2, s17  }
0x8e: {  	[smem:$0x3FC6] =	sst s2  }
0x8f: {  	_ = 	snop  }
0x90: {  	s2 =	sld [smem:$0x3FD0];
	(tm) =	ssettm $0x1  }
0x91: {  	s18 =	sld [smem:$0x3FFB];
	_ =	sdelay $0x3  }
0x92: {  	_ =	strace s18  }
0x93: {  	s3 =	sld [smem:$0x3FFC];
	_ =	sdelay $0x3  }
0x94: {  	_ =	strace s3  }
0x95: {  	s3 =	sld [smem:$0x3FFD];
	_ =	sdelay $0x3  }
0x96: {  	_ =	strace s3  }
0x97: {  	_ =	strace $0x8FFFFFFF  }
0x98: {  	s19 =	sld [smem:$0x3FDB];
	_ =	sdelay $0x1  }
0x99: {  	s4 =	simm.s32 $_scs_section_size  }
0x9a: {  	s5 =	simm.s32 $_size__tile_overlayer_lowered;
	s6 =	simm.s32 $_tile_overlayer_lowered  }
0x9b: {  	s22 =	simm.s32 $0x1BFF;
	s21 =	sshll.u32 s6, $0x1;
	s3 =	sadd.s32 s4, s19  }
0x9c: {  	s7 =	simm.s32 $0x0;
	s20 =	sshll.u32 s5, $0x1;
	s5 =	sadd.s32 s21, s3  }
0x9d: {  	[timem:s7], [sflag:s22] =	dma.local [hbm:s5], s20  }
0x9e: {  	_ =	swait.ge [sflag:s22], s20  }
0x9f: {  	s4 =	ssub.s32 $0x0, s20;
	[sflag:s22] =	ssyncset.done $0x0  }
0xa0: {  	[sflag:s22] =	ssyncadd.s32 s4;
	_ =	sdelay $0x1  }
0xa1: {  	s23 =	simm.s32 $0x1B8B  }
0xa2: {  	_ =	swait.ge [sflag:s23], $0x1  }
0xa3: {  	[sflag:s23] =	ssyncset.done $0x0  }
0xa4: {  	s25 =	simm.s32 $0x1B8E;
	s24 =	sld [smem:$0x3FFE];
	[sflag:s23] =	ssyncadd.s32 $0xFFFFFFFF  }
0xa5: {  	s26 =	simm.s32 $execute0_lowered;
	[smem:$0x3FD2] =	sst s25  }
0xa6: {  	s5 =	sshll.u32 s26, $0x1;
	_ =	strace $0x80000046;
	[dreg:$0x1] =	wrdreg $0xFFFFFFFF  }
0xa7: {  	s28 =	simm.s32 $_size_execute0_lowered;
	s3 =	sadd.s32 s3, s5;
	[dreg:$0x0] =	wrdreg $0x0  }
0xa8: {  	s5 =	sshll.u32 s28, $0x1;
	[dreg:$0x2] =	wrdreg s3  }
0xa9: {  	[dreg:$0x3] =	wrdreg s5  }
0xaa: {  	[dreg:$0x4] =	wrdreg $0xC0  }
0xab: {  	_ =	task [dreg:s7], $0x5FFFF  }
0xac: {  	[dreg:$0x1] =	wrdreg $0xFFFFFFFF  }
0xad: {  	[dreg:$0x0] =	wrdreg $0x60  }
0xae: {  	[dreg:$0x2] =	wrdreg s24  }
0xaf: {  	[dreg:$0x3] =	wrdreg s2  }
0xb0: {  	[dreg:$0x4] =	wrdreg $0x9  }
0xb1: {  	_ =	task.clear_ibuf [dreg:s7], $0x5FFFF;
	_ =	strace $0x90000046  }
0xb2: {  	s29 =	simm.s32 $0x9;
	_ =	strace $0x80000048  }
0xb3: {  	_ =	swait.ge [sflag:s29], $0x1  }
0xb4: {  	[sflag:s29] =	ssyncadd.s32 $0xFFFFFFFF  }
0xb5: {  	_ =	strace $0x90000048  }
0xb6: {  	_ =	sfence  }
0xb7: {  	s30 =	sld [smem:$0x0];
	_ =	sdelay $0x2  }
0xb8: {  	s31 =	sshll.u32 s1, $0xD;
	s1 =	sshrl.u32 s1, $0x2  }
0xb9: {  	s3 =	sand.u32 $0x4000, s31;
	s1 =	sadd.s32 s1, s30  }
0xba: {  	s0 =	sor.u32 s3, s0;
	s1 =	sshll.u32 s1, $0x11  }
0xbb: {  	s0 =	sor.u32 s1, s0  }
0xbc: {  	s0 =	sadd.s32 $0x8F2B, s0  }
0xbd: {  	[sflag:s0] =	ssyncadd.remote.s32 $0x1  }
0xbe: {  	_ =	sfence.sel $0xFFFF  }
0xbf: {  	[dreg:$0x0] =	wrdreg $0xFFFFFFFF;
	(pc) =	sbr.abs _section_cstart, $3  }
0xc0: {  	[dreg:$0x1] =	wrdreg $0xFFFFFFFF  }
0xc1: {  	_ =	task.clear_ibuf [dreg:s7], $0x2FFFF;
	_ =	strace $0x9FFFFFFF  }
0xc2: {  	(tm) =	ssettm $0x7FFFFFFF  }
0xc3: {  	_ =	shalt  }
tec
execute0_lowered:
.L_overlay_start_1:
0x0: {  	(tag) =	ssettag $0x1  }
0x1: {  	s1 =	srdreg.scid;
	s3 =	rddreg [dreg:$0x0]  }
0x2: {  	s0 =	stileid.u32;
	s5 =	rddreg [dreg:$0x1]  }
0x3: {  	s2 =	simm.s32 $0x0;
	s11 =	simm.s32 $0x16400;
	s12 =	simm.s32 $0x1  }
0x4: {  	s13 =	simm.s32 $0x2;
	s14 =	simm.s32 $0x3;
	s15 =	simm.s32 $0x4  }
0x5: {  	s16 =	simm.s32 $0x5;
	s17 =	simm.s32 $0x0;
	s4 =	sand.u32 $0x1, s1  }
0x6: {  	s30 =	sshll.u32 s0, $0x1;
	s1 =	rddreg [dreg:$0x2];
	s8 =	smul.u32 $0xC8000, s0  }
0x7: {  	v0 =	vlaneseq.u32;
	[smem:$0x7FF] =	sst s2;
	s6 =	sor.u32 s4, s30;
	s10 =	smul.u32 $0x64000, s4  }
0x8: {  	v0 =	vmul.u32 $0x80, v0;
	s7 =	ssub.s32 $0x2, s4;
	_ =	strace $0x80000047;
	s6 =	smul.u32 $0xC80, s6  }
0x9: {  	s9 =	sshrl.u32 s7, $0x1;
	s5 =	sadd.s32 s8, s5;
	s8 =	simm.s32 $0xA400  }
0xa: {  	v1 =	vimm.f32 $0.0e+00;
	v2 =	vimm.f32 $1.000000000e+00;
	v3 =	vor.u32 $0x800, v0;
	s31 =	ssub.s32 s7, s9;
	s5 =	sadd.s32 s10, s5;
	s7 =	simm.s32 $0x6400  }
0xb: {  	v4 =	vor.u32 $0x1000, v0;
	v5 =	vor.u32 $0x1800, v0;
	v6 =	vor.u32 $0x2000, v0;
	s9 =	simm.s32 $0xE400;
	s10 =	simm.s32 $0x12400;
	s3 =	sadd.s32 s6, s3  }
0xc: {  	v7 =	vor.u32 $0x2800, v0;
	v8 =	vor.u32 $0x3000, v0;
	v9 =	vor.u32 $0x3800, v0;
	s4 =	smax.u32 s31, $0x1;
	s6 =	simm.s32 $0x6;
	s3 =	sadd.s32 $0x400, s3  }
.LBB2_1:
0xd: {  	[tilespmem:s2], [sflag:$0x6] =	stream.linear.gather [hbm4b:s3+s2], $0x6400, $0x38;
	[tilespmem:$0x1A400] =	vst v63  }
0xe: {  	_ =	swait.ge [sflag:s6], $0x6400  }
0xf: {  	[sflag:s6] =	ssyncset.done $0x0  }
0x10: {  	s18 =	simm.s32 $0x0;
	s19 =	simm.s32 $0x200;
	[sflag:s6] =	ssyncadd.s32 $0xFFFF9C00  }
.LBB2_2:
0x11: {  	p0 =	sne.s32 s19, $0xFE00;
	[tilespmem:s18+$0x6470] =	vst v1  }
0x12: {  	[tilespmem:s18+$0x6400] =	vst v1  }
0x13: {  	[tilespmem:s18+$0x6410] =	vst v1  }
.Ltmp0:
0x14: {  	[tilespmem:s18+$0x6420] =	vst v1;
	(pc) =	sbr.rel @p0 .LBB2_2-.Ltmp0, $4  }
0x15: {  	[tilespmem:s18+$0x6430] =	vst v1  }
0x16: {  	[tilespmem:s18+$0x6440] =	vst v1  }
0x17: {  	[tilespmem:s18+$0x6450] =	vst v1  }
0x18: {  	[tilespmem:s18+$0x6460] =	vst v1;
	s18 =	sshra.s32 s19, $0x2;
	s19 =	sadd.s32 $0x200, s19  }
0x19: {  	[tilespmem:s18+$0x6470] =	vst v1  }
0x1a: {  	[tilespmem:s18+$0x6400] =	vst v1  }
0x1b: {  	[tilespmem:s18+$0x6410] =	vst v1  }
0x1c: {  	[tilespmem:s18+$0x6420] =	vst v1  }
0x1d: {  	[tilespmem:s18+$0x6430] =	vst v1  }
0x1e: {  	[tilespmem:s18+$0x6440] =	vst v1  }
0x1f: {  	[tilespmem:s18+$0x6450] =	vst v1  }
0x20: {  	[tilespmem:s18+$0x6460] =	vst v1;
	s18 =	simm.s32 $0x0;
	s19 =	simm.s32 $0x200  }
.LBB2_4:
0x21: {  	p0 =	sne.s32 s19, $0xFE00;
	[tilespmem:s18+$0xA470] =	vst v1  }
0x22: {  	[tilespmem:s18+$0xA400] =	vst v1  }
0x23: {  	[tilespmem:s18+$0xA410] =	vst v1  }
.Ltmp1:
0x24: {  	[tilespmem:s18+$0xA420] =	vst v1;
	(pc) =	sbr.rel @p0 .LBB2_4-.Ltmp1, $4  }
0x25: {  	[tilespmem:s18+$0xA430] =	vst v1  }
0x26: {  	[tilespmem:s18+$0xA440] =	vst v1  }
0x27: {  	[tilespmem:s18+$0xA450] =	vst v1  }
0x28: {  	[tilespmem:s18+$0xA460] =	vst v1;
	s18 =	sshra.s32 s19, $0x2;
	s19 =	sadd.s32 $0x200, s19  }
0x29: {  	[tilespmem:s18+$0xA470] =	vst v1  }
0x2a: {  	[tilespmem:s18+$0xA400] =	vst v1  }
0x2b: {  	[tilespmem:s18+$0xA410] =	vst v1  }
0x2c: {  	[tilespmem:s18+$0xA420] =	vst v1  }
0x2d: {  	[tilespmem:s18+$0xA430] =	vst v1  }
0x2e: {  	[tilespmem:s18+$0xA440] =	vst v1  }
0x2f: {  	[tilespmem:s18+$0xA450] =	vst v1  }
0x30: {  	[tilespmem:s18+$0xA460] =	vst v1;
	s18 =	simm.s32 $0x0;
	s19 =	simm.s32 $0x200  }
.LBB2_6:
0x31: {  	p0 =	sne.s32 s19, $0xFE00;
	[tilespmem:s18+$0xE470] =	vst v1  }
0x32: {  	[tilespmem:s18+$0xE400] =	vst v1  }
0x33: {  	[tilespmem:s18+$0xE410] =	vst v1  }
.Ltmp2:
0x34: {  	[tilespmem:s18+$0xE420] =	vst v1;
	(pc) =	sbr.rel @p0 .LBB2_6-.Ltmp2, $4  }
0x35: {  	[tilespmem:s18+$0xE430] =	vst v1  }
0x36: {  	[tilespmem:s18+$0xE440] =	vst v1  }
0x37: {  	[tilespmem:s18+$0xE450] =	vst v1  }
0x38: {  	[tilespmem:s18+$0xE460] =	vst v1;
	s18 =	sshra.s32 s19, $0x2;
	s19 =	sadd.s32 $0x200, s19  }
0x39: {  	[tilespmem:s18+$0xE470] =	vst v1  }
0x3a: {  	[tilespmem:s18+$0xE400] =	vst v1  }
0x3b: {  	[tilespmem:s18+$0xE410] =	vst v1  }
0x3c: {  	[tilespmem:s18+$0xE420] =	vst v1  }
0x3d: {  	[tilespmem:s18+$0xE430] =	vst v1  }
0x3e: {  	[tilespmem:s18+$0xE440] =	vst v1  }
0x3f: {  	[tilespmem:s18+$0xE450] =	vst v1  }
0x40: {  	[tilespmem:s18+$0xE460] =	vst v1;
	s18 =	simm.s32 $0x0;
	s19 =	simm.s32 $0x200  }
.LBB2_8:
0x41: {  	p0 =	sne.s32 s19, $0xFE00;
	[tilespmem:s18+$0x12470] =	vst v1  }
0x42: {  	[tilespmem:s18+$0x12400] =	vst v1  }
0x43: {  	[tilespmem:s18+$0x12410] =	vst v1  }
.Ltmp3:
0x44: {  	[tilespmem:s18+$0x12420] =	vst v1;
	(pc) =	sbr.rel @p0 .LBB2_8-.Ltmp3, $4  }
0x45: {  	[tilespmem:s18+$0x12430] =	vst v1  }
0x46: {  	[tilespmem:s18+$0x12440] =	vst v1  }
0x47: {  	[tilespmem:s18+$0x12450] =	vst v1  }
0x48: {  	[tilespmem:s18+$0x12460] =	vst v1;
	s18 =	sshra.s32 s19, $0x2;
	s19 =	sadd.s32 $0x200, s19  }
0x49: {  	[tilespmem:s18+$0x12470] =	vst v1  }
0x4a: {  	[tilespmem:s18+$0x12400] =	vst v1  }
0x4b: {  	[tilespmem:s18+$0x12410] =	vst v1  }
0x4c: {  	[tilespmem:s18+$0x12420] =	vst v1  }
0x4d: {  	[tilespmem:s18+$0x12430] =	vst v1  }
0x4e: {  	[tilespmem:s18+$0x12440] =	vst v1  }
0x4f: {  	[tilespmem:s18+$0x12450] =	vst v1  }
0x50: {  	[tilespmem:s18+$0x12460] =	vst v1;
	s18 =	simm.s32 $0x0;
	s19 =	simm.s32 $0x200  }
.LBB2_10:
0x51: {  	p0 =	sne.s32 s19, $0xFE00;
	[tilespmem:s18+$0x16470] =	vst v1  }
0x52: {  	[tilespmem:s18+$0x16400] =	vst v1  }
0x53: {  	[tilespmem:s18+$0x16410] =	vst v1  }
.Ltmp4:
0x54: {  	[tilespmem:s18+$0x16420] =	vst v1;
	(pc) =	sbr.rel @p0 .LBB2_10-.Ltmp4, $4  }
0x55: {  	[tilespmem:s18+$0x16430] =	vst v1  }
0x56: {  	[tilespmem:s18+$0x16440] =	vst v1  }
0x57: {  	[tilespmem:s18+$0x16450] =	vst v1  }
0x58: {  	[tilespmem:s18+$0x16460] =	vst v1;
	s18 =	sshra.s32 s19, $0x2;
	s19 =	sadd.s32 $0x200, s19  }
0x59: {  	[tilespmem:s18+$0x16470] =	vst v1  }
0x5a: {  	[tilespmem:s18+$0x16400] =	vst v1  }
0x5b: {  	[tilespmem:s18+$0x16410] =	vst v1  }
0x5c: {  	[tilespmem:s18+$0x16420] =	vst v1  }
0x5d: {  	[tilespmem:s18+$0x16430] =	vst v1  }
0x5e: {  	[tilespmem:s18+$0x16440] =	vst v1  }
0x5f: {  	[tilespmem:s18+$0x16450] =	vst v1  }
0x60: {  	[tilespmem:s18+$0x16460] =	vst v1;
	s18 =	simm.s32 $0x0;
	s19 =	simm.s32 $0x0  }
.LBB2_12:
0x61: {  	p0 =	seq.s32 s19, $0x0  }
0x62: {  	s20 =	simm.s32 @!p0 $0x1  }
0x63: {  	_ =	swait.ge @!p0 [sflag:s20], $0x4000  }
0x64: {  	[sflag:s20] =	ssyncset.done @!p0 $0x0  }
0x65: {  	[sflag:s20] =	ssyncadd.s32 @!p0 $0xFFFFC000  }
0x66: {  	v10 =	vld @!p0 [tilespmem:s18+$0xFFFFFD80];
	_ =	sdelay $0x1  }
0x67: {  	v11 =	vlaneseq.u32 @!p0  }
0x68: {  	v11 =	vmul.u32 @!p0 $0x80, v11;
	_ =	sdelay $0x1  }
0x69: {  	v12 =	vadd.s32 @!p0 v11, v10;
	_ =	sdelay $0x3  }
0x6a: {  	s20 =	simm.s32 @!p0 $0x6400;
	v10 =	vimm.f32 @!p0 $0.0e+00  }
0x6b: {  	[tilespmem:v12+s20+$0x0] =	vst.idx.msk @!p0 $0xffff, v10  }
0x6c: {  	v13 =	vld @!p0 [tilespmem:s18+$0xFFFFFD90];
	_ =	sdelay $0x3  }
0x6d: {  	v12 =	vor.u32 @!p0 $0x800, v11  }
0x6e: {  	v13 =	vadd.s32 @!p0 v12, v13;
	_ =	sdelay $0x4  }
0x6f: {  	[tilespmem:v13+s20+$0x0] =	vst.idx.msk @!p0 $0xffff, v10  }
0x70: {  	v14 =	vld @!p0 [tilespmem:s18+$0xFFFFFDA0];
	_ =	sdelay $0x3  }
0x71: {  	v13 =	vor.u32 @!p0 $0x1000, v11  }
0x72: {  	v14 =	vadd.s32 @!p0 v13, v14;
	_ =	sdelay $0x4  }
0x73: {  	[tilespmem:v14+s20+$0x0] =	vst.idx.msk @!p0 $0xffff, v10  }
0x74: {  	v15 =	vld @!p0 [tilespmem:s18+$0xFFFFFDB0];
	_ =	sdelay $0x3  }
0x75: {  	v14 =	vor.u32 @!p0 $0x1800, v11  }
0x76: {  	v15 =	vadd.s32 @!p0 v14, v15;
	_ =	sdelay $0x4  }
0x77: {  	[tilespmem:v15+s20+$0x0] =	vst.idx.msk @!p0 $0xffff, v10  }
0x78: {  	v16 =	vld @!p0 [tilespmem:s18+$0xFFFFFDC0];
	_ =	sdelay $0x3  }
0x79: {  	v15 =	vor.u32 @!p0 $0x2000, v11  }
0x7a: {  	v16 =	vadd.s32 @!p0 v15, v16;
	_ =	sdelay $0x4  }
0x7b: {  	[tilespmem:v16+s20+$0x0] =	vst.idx.msk @!p0 $0xffff, v10  }
0x7c: {  	v17 =	vld @!p0 [tilespmem:s18+$0xFFFFFDD0];
	_ =	sdelay $0x3  }
0x7d: {  	v16 =	vor.u32 @!p0 $0x2800, v11  }
0x7e: {  	v17 =	vadd.s32 @!p0 v16, v17;
	_ =	sdelay $0x4  }
0x7f: {  	[tilespmem:v17+s20+$0x0] =	vst.idx.msk @!p0 $0xffff, v10  }
0x80: {  	v18 =	vld @!p0 [tilespmem:s18+$0xFFFFFDE0];
	_ =	sdelay $0x3  }
0x81: {  	v17 =	vor.u32 @!p0 $0x3000, v11  }
0x82: {  	v18 =	vadd.s32 @!p0 v17, v18;
	_ =	sdelay $0x4  }
0x83: {  	[tilespmem:v18+s20+$0x0] =	vst.idx.msk @!p0 $0xffff, v10  }
0x84: {  	v19 =	vld @!p0 [tilespmem:s18+$0xFFFFFDF0];
	_ =	sdelay $0x3  }
0x85: {  	v18 =	vor.u32 @!p0 $0x3800, v11  }
0x86: {  	v19 =	vadd.s32 @!p0 v18, v19;
	_ =	sdelay $0x4  }
0x87: {  	[tilespmem:v19+s20+$0x0] =	vst.idx.msk @!p0 $0xffff, v10  }
0x88: {  	v19 =	vld [tilespmem:s18+$0x0];
	_ =	sdelay $0x4  }
0x89: {  	v19 =	vadd.s32 v0, v19;
	_ =	sdelay $0x4  }
0x8a: {  	[tilespmem:v19+s7+$0x0] =	vst.idx.msk $0xffff, v2  }
0x8b: {  	v19 =	vld [tilespmem:s18+$0x10];
	_ =	sdelay $0x4  }
0x8c: {  	v19 =	vadd.s32 v3, v19;
	_ =	sdelay $0x4  }
0x8d: {  	[tilespmem:v19+s7+$0x0] =	vst.idx.msk $0xffff, v2  }
0x8e: {  	v19 =	vld [tilespmem:s18+$0x20];
	_ =	sdelay $0x4  }
0x8f: {  	v19 =	vadd.s32 v4, v19;
	_ =	sdelay $0x4  }
0x90: {  	[tilespmem:v19+s7+$0x0] =	vst.idx.msk $0xffff, v2  }
0x91: {  	v19 =	vld [tilespmem:s18+$0x30];
	_ =	sdelay $0x4  }
0x92: {  	v19 =	vadd.s32 v5, v19;
	_ =	sdelay $0x4  }
0x93: {  	[tilespmem:v19+s7+$0x0] =	vst.idx.msk $0xffff, v2  }
0x94: {  	v19 =	vld [tilespmem:s18+$0x40];
	_ =	sdelay $0x4  }
0x95: {  	v19 =	vadd.s32 v6, v19;
	_ =	sdelay $0x4  }
0x96: {  	[tilespmem:v19+s7+$0x0] =	vst.idx.msk $0xffff, v2  }
0x97: {  	v19 =	vld [tilespmem:s18+$0x50];
	_ =	sdelay $0x4  }
0x98: {  	v19 =	vadd.s32 v7, v19;
	_ =	sdelay $0x4  }
0x99: {  	[tilespmem:v19+s7+$0x0] =	vst.idx.msk $0xffff, v2  }
0x9a: {  	v19 =	vld [tilespmem:s18+$0x60];
	_ =	sdelay $0x4  }
0x9b: {  	v19 =	vadd.s32 v8, v19;
	_ =	sdelay $0x4  }
0x9c: {  	[tilespmem:v19+s7+$0x0] =	vst.idx.msk $0xffff, v2  }
0x9d: {  	v19 =	vld [tilespmem:s18+$0x70];
	_ =	sdelay $0x4  }
0x9e: {  	v19 =	vadd.s32 v9, v19;
	_ =	sdelay $0x4  }
0x9f: {  	s28 =	sadd.s32 s19, s5;
	s21 =	simm.s32 @!p0 $0x2;
	[tilespmem:v19+s7+$0x0] =	vst.idx.msk $0xffff, v2  }
0xa0: {  	[hbm4b:s28+s2] =	stream.linear.scatter [tilespmem:s7], [sflag:$0x1], $0x4000, $0x38;
	[tilespmem:$0x1A400] =	vst v63  }
0xa1: {  	_ =	swait.ge @!p0 [sflag:s21], $0x4000  }
0xa2: {  	[sflag:s21] =	ssyncset.done @!p0 $0x0  }
0xa3: {  	[sflag:s21] =	ssyncadd.s32 @!p0 $0xFFFFC000  }
0xa4: {  	v19 =	vld @!p0 [tilespmem:s18+$0xFFFFFE00];
	_ =	sdelay $0x4  }
0xa5: {  	v19 =	vadd.s32 @!p0 v11, v19;
	_ =	sdelay $0x3  }
0xa6: {  	s21 =	simm.s32 @!p0 $0xA400  }
0xa7: {  	[tilespmem:v19+s21+$0x0] =	vst.idx.msk @!p0 $0xffff, v10  }
0xa8: {  	v19 =	vld @!p0 [tilespmem:s18+$0xFFFFFE10];
	_ =	sdelay $0x4  }
0xa9: {  	v19 =	vadd.s32 @!p0 v12, v19;
	_ =	sdelay $0x4  }
0xaa: {  	[tilespmem:v19+s21+$0x0] =	vst.idx.msk @!p0 $0xffff, v10  }
0xab: {  	v19 =	vld @!p0 [tilespmem:s18+$0xFFFFFE20];
	_ =	sdelay $0x4  }
0xac: {  	v19 =	vadd.s32 @!p0 v13, v19;
	_ =	sdelay $0x4  }
0xad: {  	[tilespmem:v19+s21+$0x0] =	vst.idx.msk @!p0 $0xffff, v10  }
0xae: {  	v19 =	vld @!p0 [tilespmem:s18+$0xFFFFFE30];
	_ =	sdelay $0x4  }
0xaf: {  	v19 =	vadd.s32 @!p0 v14, v19;
	_ =	sdelay $0x4  }
0xb0: {  	[tilespmem:v19+s21+$0x0] =	vst.idx.msk @!p0 $0xffff, v10  }
0xb1: {  	v19 =	vld @!p0 [tilespmem:s18+$0xFFFFFE40];
	_ =	sdelay $0x4  }
0xb2: {  	v19 =	vadd.s32 @!p0 v15, v19;
	_ =	sdelay $0x4  }
0xb3: {  	[tilespmem:v19+s21+$0x0] =	vst.idx.msk @!p0 $0xffff, v10  }
0xb4: {  	v19 =	vld @!p0 [tilespmem:s18+$0xFFFFFE50];
	_ =	sdelay $0x4  }
0xb5: {  	v19 =	vadd.s32 @!p0 v16, v19;
	_ =	sdelay $0x4  }
0xb6: {  	[tilespmem:v19+s21+$0x0] =	vst.idx.msk @!p0 $0xffff, v10  }
0xb7: {  	v19 =	vld @!p0 [tilespmem:s18+$0xFFFFFE60];
	_ =	sdelay $0x4  }
0xb8: {  	v19 =	vadd.s32 @!p0 v17, v19;
	_ =	sdelay $0x4  }
0xb9: {  	[tilespmem:v19+s21+$0x0] =	vst.idx.msk @!p0 $0xffff, v10  }
0xba: {  	v19 =	vld @!p0 [tilespmem:s18+$0xFFFFFE70];
	_ =	sdelay $0x4  }
0xbb: {  	v19 =	vadd.s32 @!p0 v18, v19;
	_ =	sdelay $0x4  }
0xbc: {  	[tilespmem:v19+s21+$0x0] =	vst.idx.msk @!p0 $0xffff, v10  }
0xbd: {  	v19 =	vld [tilespmem:s18+$0x80];
	_ =	sdelay $0x4  }
0xbe: {  	v19 =	vadd.s32 v0, v19;
	_ =	sdelay $0x4  }
0xbf: {  	[tilespmem:v19+s8+$0x0] =	vst.idx.msk $0xffff, v2  }
0xc0: {  	v19 =	vld [tilespmem:s18+$0x90];
	_ =	sdelay $0x4  }
0xc1: {  	v19 =	vadd.s32 v3, v19;
	_ =	sdelay $0x4  }
0xc2: {  	[tilespmem:v19+s8+$0x0] =	vst.idx.msk $0xffff, v2  }
0xc3: {  	v19 =	vld [tilespmem:s18+$0xA0];
	_ =	sdelay $0x4  }
0xc4: {  	v19 =	vadd.s32 v4, v19;
	_ =	sdelay $0x4  }
0xc5: {  	[tilespmem:v19+s8+$0x0] =	vst.idx.msk $0xffff, v2  }
0xc6: {  	v19 =	vld [tilespmem:s18+$0xB0];
	_ =	sdelay $0x4  }
0xc7: {  	v19 =	vadd.s32 v5, v19;
	_ =	sdelay $0x4  }
0xc8: {  	[tilespmem:v19+s8+$0x0] =	vst.idx.msk $0xffff, v2  }
0xc9: {  	v19 =	vld [tilespmem:s18+$0xC0];
	_ =	sdelay $0x4  }
0xca: {  	v19 =	vadd.s32 v6, v19;
	_ =	sdelay $0x4  }
0xcb: {  	[tilespmem:v19+s8+$0x0] =	vst.idx.msk $0xffff, v2  }
0xcc: {  	v19 =	vld [tilespmem:s18+$0xD0];
	_ =	sdelay $0x4  }
0xcd: {  	v19 =	vadd.s32 v7, v19;
	_ =	sdelay $0x4  }
0xce: {  	[tilespmem:v19+s8+$0x0] =	vst.idx.msk $0xffff, v2  }
0xcf: {  	v19 =	vld [tilespmem:s18+$0xE0];
	_ =	sdelay $0x4  }
0xd0: {  	v19 =	vadd.s32 v8, v19;
	_ =	sdelay $0x4  }
0xd1: {  	[tilespmem:v19+s8+$0x0] =	vst.idx.msk $0xffff, v2  }
0xd2: {  	v19 =	vld [tilespmem:s18+$0xF0];
	_ =	sdelay $0x4  }
0xd3: {  	v19 =	vadd.s32 v9, v19;
	_ =	sdelay $0x4  }
0xd4: {  	s29 =	sadd.s32 $0x800, s28;
	s21 =	simm.s32 @!p0 $0x3;
	[tilespmem:v19+s8+$0x0] =	vst.idx.msk $0xffff, v2  }
0xd5: {  	[hbm4b:s29+s2] =	stream.linear.scatter [tilespmem:s8], [sflag:$0x2], $0x4000, $0x38;
	[tilespmem:$0x1A400] =	vst v63  }
0xd6: {  	_ =	swait.ge @!p0 [sflag:s21], $0x4000  }
0xd7: {  	[sflag:s21] =	ssyncset.done @!p0 $0x0  }
0xd8: {  	[sflag:s21] =	ssyncadd.s32 @!p0 $0xFFFFC000  }
0xd9: {  	v19 =	vld @!p0 [tilespmem:s18+$0xFFFFFE80];
	_ =	sdelay $0x4  }
0xda: {  	v19 =	vadd.s32 @!p0 v11, v19;
	_ =	sdelay $0x3  }
0xdb: {  	s21 =	simm.s32 @!p0 $0xE400  }
0xdc: {  	[tilespmem:v19+s21+$0x0] =	vst.idx.msk @!p0 $0xffff, v10  }
0xdd: {  	v19 =	vld @!p0 [tilespmem:s18+$0xFFFFFE90];
	_ =	sdelay $0x4  }
0xde: {  	v19 =	vadd.s32 @!p0 v12, v19;
	_ =	sdelay $0x4  }
0xdf: {  	[tilespmem:v19+s21+$0x0] =	vst.idx.msk @!p0 $0xffff, v10  }
0xe0: {  	v19 =	vld @!p0 [tilespmem:s18+$0xFFFFFEA0];
	_ =	sdelay $0x4  }
0xe1: {  	v19 =	vadd.s32 @!p0 v13, v19;
	_ =	sdelay $0x4  }
0xe2: {  	[tilespmem:v19+s21+$0x0] =	vst.idx.msk @!p0 $0xffff, v10  }
0xe3: {  	v19 =	vld @!p0 [tilespmem:s18+$0xFFFFFEB0];
	_ =	sdelay $0x4  }
0xe4: {  	v19 =	vadd.s32 @!p0 v14, v19;
	_ =	sdelay $0x4  }
0xe5: {  	[tilespmem:v19+s21+$0x0] =	vst.idx.msk @!p0 $0xffff, v10  }
0xe6: {  	v19 =	vld @!p0 [tilespmem:s18+$0xFFFFFEC0];
	_ =	sdelay $0x4  }
0xe7: {  	v19 =	vadd.s32 @!p0 v15, v19;
	_ =	sdelay $0x4  }
0xe8: {  	[tilespmem:v19+s21+$0x0] =	vst.idx.msk @!p0 $0xffff, v10  }
0xe9: {  	v19 =	vld @!p0 [tilespmem:s18+$0xFFFFFED0];
	_ =	sdelay $0x4  }
0xea: {  	v19 =	vadd.s32 @!p0 v16, v19;
	_ =	sdelay $0x4  }
0xeb: {  	[tilespmem:v19+s21+$0x0] =	vst.idx.msk @!p0 $0xffff, v10  }
0xec: {  	v19 =	vld @!p0 [tilespmem:s18+$0xFFFFFEE0];
	_ =	sdelay $0x4  }
0xed: {  	v19 =	vadd.s32 @!p0 v17, v19;
	_ =	sdelay $0x4  }
0xee: {  	[tilespmem:v19+s21+$0x0] =	vst.idx.msk @!p0 $0xffff, v10  }
0xef: {  	v19 =	vld @!p0 [tilespmem:s18+$0xFFFFFEF0];
	_ =	sdelay $0x4  }
0xf0: {  	v19 =	vadd.s32 @!p0 v18, v19;
	_ =	sdelay $0x4  }
0xf1: {  	[tilespmem:v19+s21+$0x0] =	vst.idx.msk @!p0 $0xffff, v10  }
0xf2: {  	v19 =	vld [tilespmem:s18+$0x100];
	_ =	sdelay $0x4  }
0xf3: {  	v19 =	vadd.s32 v0, v19;
	_ =	sdelay $0x4  }
0xf4: {  	[tilespmem:v19+s9+$0x0] =	vst.idx.msk $0xffff, v2  }
0xf5: {  	v19 =	vld [tilespmem:s18+$0x110];
	_ =	sdelay $0x4  }
0xf6: {  	v19 =	vadd.s32 v3, v19;
	_ =	sdelay $0x4  }
0xf7: {  	[tilespmem:v19+s9+$0x0] =	vst.idx.msk $0xffff, v2  }
0xf8: {  	v19 =	vld [tilespmem:s18+$0x120];
	_ =	sdelay $0x4  }
0xf9: {  	v19 =	vadd.s32 v4, v19;
	_ =	sdelay $0x4  }
0xfa: {  	[tilespmem:v19+s9+$0x0] =	vst.idx.msk $0xffff, v2  }
0xfb: {  	v19 =	vld [tilespmem:s18+$0x130];
	_ =	sdelay $0x4  }
0xfc: {  	v19 =	vadd.s32 v5, v19;
	_ =	sdelay $0x4  }
0xfd: {  	[tilespmem:v19+s9+$0x0] =	vst.idx.msk $0xffff, v2  }
0xfe: {  	v19 =	vld [tilespmem:s18+$0x140];
	_ =	sdelay $0x4  }
0xff: {  	v19 =	vadd.s32 v6, v19;
	_ =	sdelay $0x4  }
0x100: {  	[tilespmem:v19+s9+$0x0] =	vst.idx.msk $0xffff, v2  }
0x101: {  	v19 =	vld [tilespmem:s18+$0x150];
	_ =	sdelay $0x4  }
0x102: {  	v19 =	vadd.s32 v7, v19;
	_ =	sdelay $0x4  }
0x103: {  	[tilespmem:v19+s9+$0x0] =	vst.idx.msk $0xffff, v2  }
0x104: {  	v19 =	vld [tilespmem:s18+$0x160];
	_ =	sdelay $0x4  }
0x105: {  	v19 =	vadd.s32 v8, v19;
	_ =	sdelay $0x4  }
0x106: {  	[tilespmem:v19+s9+$0x0] =	vst.idx.msk $0xffff, v2  }
0x107: {  	v19 =	vld [tilespmem:s18+$0x170];
	_ =	sdelay $0x4  }
0x108: {  	v19 =	vadd.s32 v9, v19;
	_ =	sdelay $0x4  }
0x109: {  	s30 =	sadd.s32 $0x1000, s28;
	s21 =	simm.s32 @!p0 $0x4;
	[tilespmem:v19+s9+$0x0] =	vst.idx.msk $0xffff, v2  }
0x10a: {  	[hbm4b:s30+s2] =	stream.linear.scatter [tilespmem:s9], [sflag:$0x3], $0x4000, $0x38;
	[tilespmem:$0x1A400] =	vst v63  }
0x10b: {  	_ =	swait.ge @!p0 [sflag:s21], $0x4000  }
0x10c: {  	[sflag:s21] =	ssyncset.done @!p0 $0x0  }
0x10d: {  	[sflag:s21] =	ssyncadd.s32 @!p0 $0xFFFFC000  }
0x10e: {  	v19 =	vld @!p0 [tilespmem:s18+$0xFFFFFF00];
	_ =	sdelay $0x4  }
0x10f: {  	v19 =	vadd.s32 @!p0 v11, v19;
	_ =	sdelay $0x3  }
0x110: {  	s21 =	simm.s32 @!p0 $0x12400  }
0x111: {  	[tilespmem:v19+s21+$0x0] =	vst.idx.msk @!p0 $0xffff, v10  }
0x112: {  	v19 =	vld @!p0 [tilespmem:s18+$0xFFFFFF10];
	_ =	sdelay $0x4  }
0x113: {  	v19 =	vadd.s32 @!p0 v12, v19;
	_ =	sdelay $0x4  }
0x114: {  	[tilespmem:v19+s21+$0x0] =	vst.idx.msk @!p0 $0xffff, v10  }
0x115: {  	v19 =	vld @!p0 [tilespmem:s18+$0xFFFFFF20];
	_ =	sdelay $0x4  }
0x116: {  	v19 =	vadd.s32 @!p0 v13, v19;
	_ =	sdelay $0x4  }
0x117: {  	[tilespmem:v19+s21+$0x0] =	vst.idx.msk @!p0 $0xffff, v10  }
0x118: {  	v19 =	vld @!p0 [tilespmem:s18+$0xFFFFFF30];
	_ =	sdelay $0x4  }
0x119: {  	v19 =	vadd.s32 @!p0 v14, v19;
	_ =	sdelay $0x4  }
0x11a: {  	[tilespmem:v19+s21+$0x0] =	vst.idx.msk @!p0 $0xffff, v10  }
0x11b: {  	v19 =	vld @!p0 [tilespmem:s18+$0xFFFFFF40];
	_ =	sdelay $0x4  }
0x11c: {  	v19 =	vadd.s32 @!p0 v15, v19;
	_ =	sdelay $0x4  }
0x11d: {  	[tilespmem:v19+s21+$0x0] =	vst.idx.msk @!p0 $0xffff, v10  }
0x11e: {  	v19 =	vld @!p0 [tilespmem:s18+$0xFFFFFF50];
	_ =	sdelay $0x4  }
0x11f: {  	v19 =	vadd.s32 @!p0 v16, v19;
	_ =	sdelay $0x4  }
0x120: {  	[tilespmem:v19+s21+$0x0] =	vst.idx.msk @!p0 $0xffff, v10  }
0x121: {  	v19 =	vld @!p0 [tilespmem:s18+$0xFFFFFF60];
	_ =	sdelay $0x4  }
0x122: {  	v19 =	vadd.s32 @!p0 v17, v19;
	_ =	sdelay $0x4  }
0x123: {  	[tilespmem:v19+s21+$0x0] =	vst.idx.msk @!p0 $0xffff, v10  }
0x124: {  	v19 =	vld @!p0 [tilespmem:s18+$0xFFFFFF70];
	_ =	sdelay $0x4  }
0x125: {  	v19 =	vadd.s32 @!p0 v18, v19;
	_ =	sdelay $0x4  }
0x126: {  	[tilespmem:v19+s21+$0x0] =	vst.idx.msk @!p0 $0xffff, v10  }
0x127: {  	v19 =	vld [tilespmem:s18+$0x180];
	_ =	sdelay $0x4  }
0x128: {  	v19 =	vadd.s32 v0, v19;
	_ =	sdelay $0x4  }
0x129: {  	[tilespmem:v19+s10+$0x0] =	vst.idx.msk $0xffff, v2  }
0x12a: {  	v19 =	vld [tilespmem:s18+$0x190];
	_ =	sdelay $0x4  }
0x12b: {  	v19 =	vadd.s32 v3, v19;
	_ =	sdelay $0x4  }
0x12c: {  	[tilespmem:v19+s10+$0x0] =	vst.idx.msk $0xffff, v2  }
0x12d: {  	v19 =	vld [tilespmem:s18+$0x1A0];
	_ =	sdelay $0x4  }
0x12e: {  	v19 =	vadd.s32 v4, v19;
	_ =	sdelay $0x4  }
0x12f: {  	[tilespmem:v19+s10+$0x0] =	vst.idx.msk $0xffff, v2  }
0x130: {  	v19 =	vld [tilespmem:s18+$0x1B0];
	_ =	sdelay $0x4  }
0x131: {  	v19 =	vadd.s32 v5, v19;
	_ =	sdelay $0x4  }
0x132: {  	[tilespmem:v19+s10+$0x0] =	vst.idx.msk $0xffff, v2  }
0x133: {  	v19 =	vld [tilespmem:s18+$0x1C0];
	_ =	sdelay $0x4  }
0x134: {  	v19 =	vadd.s32 v6, v19;
	_ =	sdelay $0x4  }
0x135: {  	[tilespmem:v19+s10+$0x0] =	vst.idx.msk $0xffff, v2  }
0x136: {  	v19 =	vld [tilespmem:s18+$0x1D0];
	_ =	sdelay $0x4  }
0x137: {  	v19 =	vadd.s32 v7, v19;
	_ =	sdelay $0x4  }
0x138: {  	[tilespmem:v19+s10+$0x0] =	vst.idx.msk $0xffff, v2  }
0x139: {  	v19 =	vld [tilespmem:s18+$0x1E0];
	_ =	sdelay $0x4  }
0x13a: {  	v19 =	vadd.s32 v8, v19;
	_ =	sdelay $0x4  }
0x13b: {  	[tilespmem:v19+s10+$0x0] =	vst.idx.msk $0xffff, v2  }
0x13c: {  	v19 =	vld [tilespmem:s18+$0x1F0];
	_ =	sdelay $0x4  }
0x13d: {  	v19 =	vadd.s32 v9, v19;
	_ =	sdelay $0x4  }
0x13e: {  	s31 =	sadd.s32 $0x1800, s28;
	s21 =	simm.s32 @!p0 $0x5;
	[tilespmem:v19+s10+$0x0] =	vst.idx.msk $0xffff, v2  }
0x13f: {  	[hbm4b:s31+s2] =	stream.linear.scatter [tilespmem:s10], [sflag:$0x4], $0x4000, $0x38;
	[tilespmem:$0x1A400] =	vst v63  }
0x140: {  	_ =	swait.ge @!p0 [sflag:s21], $0x4000  }
0x141: {  	[sflag:s21] =	ssyncset.done @!p0 $0x0  }
0x142: {  	[sflag:s21] =	ssyncadd.s32 @!p0 $0xFFFFC000  }
0x143: {  	v19 =	vld @!p0 [tilespmem:s18+$0xFFFFFF80];
	_ =	sdelay $0x4  }
0x144: {  	v11 =	vadd.s32 @!p0 v11, v19;
	_ =	sdelay $0x3  }
0x145: {  	s21 =	simm.s32 @!p0 $0x16400  }
0x146: {  	[tilespmem:v11+s21+$0x0] =	vst.idx.msk @!p0 $0xffff, v10  }
0x147: {  	v11 =	vld @!p0 [tilespmem:s18+$0xFFFFFF90];
	_ =	sdelay $0x4  }
0x148: {  	v11 =	vadd.s32 @!p0 v12, v11;
	_ =	sdelay $0x4  }
0x149: {  	[tilespmem:v11+s21+$0x0] =	vst.idx.msk @!p0 $0xffff, v10  }
0x14a: {  	v11 =	vld @!p0 [tilespmem:s18+$0xFFFFFFA0];
	_ =	sdelay $0x4  }
0x14b: {  	v11 =	vadd.s32 @!p0 v13, v11;
	_ =	sdelay $0x4  }
0x14c: {  	[tilespmem:v11+s21+$0x0] =	vst.idx.msk @!p0 $0xffff, v10  }
0x14d: {  	v11 =	vld @!p0 [tilespmem:s18+$0xFFFFFFB0];
	_ =	sdelay $0x4  }
0x14e: {  	v11 =	vadd.s32 @!p0 v14, v11;
	_ =	sdelay $0x4  }
0x14f: {  	[tilespmem:v11+s21+$0x0] =	vst.idx.msk @!p0 $0xffff, v10  }
0x150: {  	v11 =	vld @!p0 [tilespmem:s18+$0xFFFFFFC0];
	_ =	sdelay $0x4  }
0x151: {  	v11 =	vadd.s32 @!p0 v15, v11;
	_ =	sdelay $0x4  }
0x152: {  	[tilespmem:v11+s21+$0x0] =	vst.idx.msk @!p0 $0xffff, v10  }
0x153: {  	v11 =	vld @!p0 [tilespmem:s18+$0xFFFFFFD0];
	_ =	sdelay $0x4  }
0x154: {  	v11 =	vadd.s32 @!p0 v16, v11;
	_ =	sdelay $0x4  }
0x155: {  	[tilespmem:v11+s21+$0x0] =	vst.idx.msk @!p0 $0xffff, v10  }
0x156: {  	v11 =	vld @!p0 [tilespmem:s18+$0xFFFFFFE0];
	_ =	sdelay $0x4  }
0x157: {  	v11 =	vadd.s32 @!p0 v17, v11;
	_ =	sdelay $0x4  }
0x158: {  	[tilespmem:v11+s21+$0x0] =	vst.idx.msk @!p0 $0xffff, v10  }
0x159: {  	v11 =	vld @!p0 [tilespmem:s18+$0xFFFFFFF0];
	_ =	sdelay $0x4  }
0x15a: {  	v11 =	vadd.s32 @!p0 v18, v11;
	_ =	sdelay $0x4  }
0x15b: {  	[tilespmem:v11+s21+$0x0] =	vst.idx.msk @!p0 $0xffff, v10  }
0x15c: {  	v10 =	vld [tilespmem:s18+$0x200];
	_ =	sdelay $0x4  }
0x15d: {  	v10 =	vadd.s32 v0, v10;
	_ =	sdelay $0x4  }
0x15e: {  	[tilespmem:v10+s11+$0x0] =	vst.idx.msk $0xffff, v2  }
0x15f: {  	v10 =	vld [tilespmem:s18+$0x210];
	_ =	sdelay $0x4  }
0x160: {  	v10 =	vadd.s32 v3, v10;
	_ =	sdelay $0x4  }
0x161: {  	[tilespmem:v10+s11+$0x0] =	vst.idx.msk $0xffff, v2  }
0x162: {  	v10 =	vld [tilespmem:s18+$0x220];
	_ =	sdelay $0x4  }
0x163: {  	v10 =	vadd.s32 v4, v10;
	_ =	sdelay $0x4  }
0x164: {  	[tilespmem:v10+s11+$0x0] =	vst.idx.msk $0xffff, v2  }
0x165: {  	v10 =	vld [tilespmem:s18+$0x230];
	_ =	sdelay $0x4  }
0x166: {  	v10 =	vadd.s32 v5, v10;
	_ =	sdelay $0x4  }
0x167: {  	[tilespmem:v10+s11+$0x0] =	vst.idx.msk $0xffff, v2  }
0x168: {  	v10 =	vld [tilespmem:s18+$0x240];
	_ =	sdelay $0x4  }
0x169: {  	v10 =	vadd.s32 v6, v10;
	_ =	sdelay $0x4  }
0x16a: {  	[tilespmem:v10+s11+$0x0] =	vst.idx.msk $0xffff, v2  }
0x16b: {  	v10 =	vld [tilespmem:s18+$0x250];
	_ =	sdelay $0x4  }
0x16c: {  	v10 =	vadd.s32 v7, v10;
	_ =	sdelay $0x4  }
0x16d: {  	[tilespmem:v10+s11+$0x0] =	vst.idx.msk $0xffff, v2  }
0x16e: {  	v10 =	vld [tilespmem:s18+$0x260];
	_ =	sdelay $0x4  }
0x16f: {  	v10 =	vadd.s32 v8, v10;
	_ =	sdelay $0x4  }
0x170: {  	[tilespmem:v10+s11+$0x0] =	vst.idx.msk $0xffff, v2  }
0x171: {  	v10 =	vld [tilespmem:s18+$0x270];
	_ =	sdelay $0x4  }
0x172: {  	s19 =	sadd.s32 $0x2800, s19;
	v10 =	vadd.s32 v9, v10  }
0x173: {  	p0 =	sne.s32 s19, $0x64000  }
.Ltmp5:
0x174: {  	_ = 	snop;
	(pc) =	sbr.rel @p0 .LBB2_12-.Ltmp5, $3  }
0x175: {  	_ =	sdelay $0x1  }
0x176: {  	s20 =	sadd.s32 $0x2000, s28;
	s18 =	sadd.s32 $0x280, s18;
	[tilespmem:v10+s11+$0x0] =	vst.idx.msk $0xffff, v2  }
0x177: {  	[hbm4b:s20+s2] =	stream.linear.scatter [tilespmem:s11], [sflag:$0x5], $0x4000, $0x38;
	[tilespmem:$0x1A400] =	vst v63  }
0x178: {  	_ =	swait.ge [sflag:s12], $0x4000  }
0x179: {  	[sflag:s12] =	ssyncset.done $0x0  }
0x17a: {  	[sflag:s12] =	ssyncadd.s32 $0xFFFFC000  }
0x17b: {  	_ =	swait.ge [sflag:s13], $0x4000  }
0x17c: {  	[sflag:s13] =	ssyncset.done $0x0  }
0x17d: {  	[sflag:s13] =	ssyncadd.s32 $0xFFFFC000  }
0x17e: {  	_ =	swait.ge [sflag:s14], $0x4000  }
0x17f: {  	[sflag:s14] =	ssyncset.done $0x0  }
0x180: {  	s17 =	sadd.s32 $0x1, s17;
	[sflag:s14] =	ssyncadd.s32 $0xFFFFC000  }
0x181: {  	p0 =	sne.s32 s17, s4;
	_ =	swait.ge [sflag:s15], $0x4000  }
.Ltmp6:
0x182: {  	[sflag:s15] =	ssyncset.done $0x0;
	(pc) =	sbr.rel @p0 .LBB2_1-.Ltmp6, $4  }
0x183: {  	[sflag:s15] =	ssyncadd.s32 $0xFFFFC000  }
0x184: {  	_ =	swait.ge [sflag:s16], $0x4000  }
0x185: {  	[sflag:s16] =	ssyncset.done $0x0  }
0x186: {  	[sflag:s16] =	ssyncadd.s32 $0xFFFFC000  }
0x187: {  	_ =	sfence.sel $0x180000  }
0x188: {  	[bflag:$0x0] =	sbarrier.arrive $0xFFFF  }
0x189: {  	p0 =	sne.s32 s0, $0x0;
	_ =	strace $0x90000047  }
0x18a: {  	s0 =	sadd.s32 @!p0 $0x100000, s1;
	[bflag:$0x2] =	sbarrier.arrive $0xFFFF  }
0x18b: {  	[sflag:s0] =	ssyncadd.tile.s32 @!p0 $0x1;
	_ =	shalt  }
.Lfunc_end2:
_tile_overlayer_lowered:
.L_overlay_start_2:
0x18c: {  	(tag) =	ssettag $0x2  }
0x18d: {  	s0 =	rddreg [dreg:$0x0];
	s2 =	stileid.u32  }
0x18e: {  	s1 =	rddreg [dreg:$0x1];
	p0 =	sne.s32 s2, $0x0  }
0x18f: {  	s3 =	rddreg [dreg:$0x2];
	[bflag:$0x3] =	sbarrier.arrive $0xFFFF;
	s2 =	simm.s32 @!p0 $0x1C06  }
0x190: {  	[timem:s3], [sflag:s2] =	dma.local @!p0 [hbm:s0], s1  }
0x191: {  	s0 =	simm.s32 @!p0 $0x6  }
0x192: {  	_ =	swait.ge @!p0 [sflag:s0], s1  }
0x193: {  	s1 =	ssub.s32 @!p0 $0x0, s1;
	[sflag:s0] =	ssyncset.done @!p0 $0x0  }
0x194: {  	[sflag:s0] =	ssyncadd.s32 @!p0 s1  }
0x195: {  	[bflag:$0x3] =	sbarrier.arrive $0xFFFF  }
0x196: {  	_ =	shalt  }

</sc_bundles>
